<compile_context>
chip_gen: v7x
topology: tpu7x:2x2x1
jax: 0.10.2.dev20260603
libtpu: 0.0.44.dev20260713+nightly
codegen_flags: <defaults>
</compile_context>

<pallas_src>
import functools

import jax
import jax.numpy as jnp
from jax import lax
from jax.experimental import pallas as pl
from jax.experimental.pallas import tpu as pltpu
from jax.experimental.pallas import tpu_sc as plsc

NC = 2
NS = 16
NW = NC * NS
LANES = 128
G = 64
R = 2048


def _round_up(v, m):
    return -(-v // m) * m


def _sc_degree(dst3, ones_blk, zeros_n8, n_pad):
    CH, KLd = dst3.shape[1], dst3.shape[2]
    ZR = n_pad // NS
    mesh = plsc.VectorSubcoreMesh(
        core_axis_name="c", subcore_axis_name="s", num_cores=NC, num_subcores=NS)

    @functools.partial(
        pl.kernel,
        out_type=jax.ShapeDtypeStruct((NC, n_pad, 8), jnp.float32),
        mesh=mesh,
        compiler_params=pltpu.CompilerParams(use_tc_tiling_on_sc=False),
        scratch_types=[
            pltpu.VMEM((CH, KLd), jnp.int32),
            pltpu.VMEM((KLd, 8), jnp.float32),
            pltpu.VMEM_SHARED((n_pad, 8), jnp.float32),
        ],
    )
    def deg_kernel(dst_hbm, ones_hbm, zeros_hbm, out_hbm, dst_v, ones_v, deg_sh):
        cid = lax.axis_index("c")
        sid = lax.axis_index("s")
        wid = sid * NC + cid
        pltpu.sync_copy(zeros_hbm.at[pl.ds(sid * ZR, ZR)],
                        deg_sh.at[pl.ds(sid * ZR, ZR)])
        pltpu.sync_copy(ones_hbm, ones_v)
        pltpu.sync_copy(dst_hbm.at[wid], dst_v)
        plsc.subcore_barrier()

        @pl.loop(0, CH)
        def _(j):
            pltpu.sync_copy(ones_v, deg_sh.at[dst_v.at[j]], add=True)

        plsc.subcore_barrier()
        pltpu.sync_copy(deg_sh.at[pl.ds(sid * ZR, ZR)],
                        out_hbm.at[cid, pl.ds(sid * ZR, ZR)])

    return deg_kernel(dst3, ones_blk, zeros_n8)


def _sc_scatter_rows(hs_split, src3, dst3, zeros_nhh, n_pad, hh):
    CB, KL = dst3.shape[1], dst3.shape[2]
    ZR = n_pad // NS
    mesh = plsc.VectorSubcoreMesh(
        core_axis_name="c", subcore_axis_name="s", num_cores=NC, num_subcores=NS)

    @functools.partial(
        pl.kernel,
        out_type=jax.ShapeDtypeStruct((NC, n_pad, hh), jnp.float32),
        mesh=mesh,
        compiler_params=pltpu.CompilerParams(use_tc_tiling_on_sc=False),
        scratch_types=[
            pltpu.VMEM((CB + 1, KL), jnp.int32),
            pltpu.VMEM((CB, KL), jnp.int32),
            [pltpu.VMEM((KL, hh), jnp.float32) for _ in range(2)],
            pltpu.VMEM_SHARED((n_pad, hh), jnp.float32),
            pltpu.VMEM_SHARED((n_pad, hh), jnp.float32),
            [pltpu.SemaphoreType.DMA for _ in range(2)],
            [pltpu.SemaphoreType.DMA for _ in range(2)],
        ],
    )
    def msg_kernel(hs_hbm, src_hbm, dst_hbm, zeros_hbm, out_hbm,
                   src_v, dst_v, rows, hs_sh, acc_sh, semg, sems):
        cid = lax.axis_index("c")
        sid = lax.axis_index("s")
        pltpu.sync_copy(hs_hbm.at[cid, pl.ds(sid * ZR, ZR)],
                        hs_sh.at[pl.ds(sid * ZR, ZR)])
        pltpu.sync_copy(zeros_hbm.at[pl.ds(sid * ZR, ZR)],
                        acc_sh.at[pl.ds(sid * ZR, ZR)])
        pltpu.sync_copy(src_hbm.at[sid], src_v)
        pltpu.sync_copy(dst_hbm.at[sid], dst_v)
        plsc.subcore_barrier()

        def gath(c, b):
            pltpu.async_copy(hs_sh.at[src_v.at[c]], rows[b], semg[b])

        def gath_wait(c, b):
            pltpu.make_async_copy(hs_sh.at[src_v.at[c]], rows[b],
                                  semg[b]).wait()

        def scat(c, b):
            pltpu.async_copy(rows[b], acc_sh.at[dst_v.at[c]], sems[b],
                             add=True)

        def scat_wait(c, b):
            pltpu.make_async_copy(rows[b], acc_sh.at[dst_v.at[c]],
                                  sems[b]).wait()

        gath(0, 0)

        @pl.loop(0, CB, step=2)
        def _(j):
            @pl.when(j > 0)
            def _():
                scat_wait(j - 1, 1)

            gath(j + 1, 1)
            gath_wait(j, 0)
            scat(j, 0)
            scat_wait(j, 0)
            gath(j + 2, 0)
            gath_wait(j + 1, 1)
            scat(j + 1, 1)

        gath_wait(CB, 0)
        scat_wait(CB - 1, 1)
        plsc.subcore_barrier()
        pltpu.sync_copy(acc_sh.at[pl.ds(sid * ZR, ZR)],
                        out_hbm.at[cid, pl.ds(sid * ZR, ZR)])

    return msg_kernel(hs_split, src3, dst3, zeros_nhh)


def _tc_matmul(xp, W):
    n_pad, d = xp.shape
    h = W.shape[1]

    def body(x_ref, w_ref, out_ref):
        out_ref[...] = jnp.dot(x_ref[...], w_ref[...],
                               preferred_element_type=jnp.float32)

    return pl.pallas_call(
        body,
        grid=(n_pad // R,),
        in_specs=[
            pl.BlockSpec((R, d), lambda i: (i, 0)),
            pl.BlockSpec((d, h), lambda i: (0, 0)),
        ],
        out_specs=pl.BlockSpec((R, h), lambda i: (i, 0)),
        out_shape=jax.ShapeDtypeStruct((n_pad, h), jnp.float32),
    )(xp, W)


def _tc_matmul_scale(xp, W, degp):
    n_pad, d = xp.shape
    h = W.shape[1]
    hh = h // NC

    def body(x_ref, w_ref, deg_ref, hss_ref, dinv_ref):
        deg = deg_ref[0, :, 0:1] + deg_ref[1, :, 0:1] + 1.0
        dinv = lax.rsqrt(deg)
        hs = jnp.dot(x_ref[...], w_ref[...],
                     preferred_element_type=jnp.float32) * dinv
        hss_ref[0] = hs[:, :hh]
        hss_ref[1] = hs[:, hh:]
        dinv_ref[...] = dinv

    return pl.pallas_call(
        body,
        grid=(n_pad // R,),
        in_specs=[
            pl.BlockSpec((R, d), lambda i: (i, 0)),
            pl.BlockSpec((d, h), lambda i: (0, 0)),
            pl.BlockSpec((NC, R, 8), lambda i: (0, i, 0)),
        ],
        out_specs=[
            pl.BlockSpec((NC, R, hh), lambda i: (0, i, 0)),
            pl.BlockSpec((R, 1), lambda i: (i, 0)),
        ],
        out_shape=[
            jax.ShapeDtypeStruct((NC, n_pad, hh), jnp.float32),
            jax.ShapeDtypeStruct((n_pad, 1), jnp.float32),
        ],
    )(xp, W, degp)


def _tc_layer(acc, hss, dinv, b, W):
    _, n_pad, hh = hss.shape
    h = hh * NC
    h2 = W.shape[1]
    hh2 = h2 // NC

    def body(acc_ref, hss_ref, dinv_ref, b_ref, w_ref, out_ref):
        s = jnp.concatenate(
            [acc_ref[0] + hss_ref[0], acc_ref[1] + hss_ref[1]], axis=1)
        h1 = jnp.maximum(s * dinv_ref[...] + b_ref[...], 0.0)
        hm = jnp.dot(h1, w_ref[...],
                     preferred_element_type=jnp.float32) * dinv_ref[...]
        out_ref[0] = hm[:, :hh2]
        out_ref[1] = hm[:, hh2:]

    return pl.pallas_call(
        body,
        grid=(n_pad // R,),
        in_specs=[
            pl.BlockSpec((NC, R, hh), lambda i: (0, i, 0)),
            pl.BlockSpec((NC, R, hh), lambda i: (0, i, 0)),
            pl.BlockSpec((R, 1), lambda i: (i, 0)),
            pl.BlockSpec((1, h), lambda i: (0, 0)),
            pl.BlockSpec((h, h2), lambda i: (0, 0)),
        ],
        out_specs=pl.BlockSpec((NC, R, hh2), lambda i: (0, i, 0)),
        out_shape=jax.ShapeDtypeStruct((NC, n_pad, hh2), jnp.float32),
    )(acc, hss, dinv, b.reshape(1, h), W)


def _tc_final(acc, hss, dinv, b, bcol, Wc1, bc1, Wc2, bc2):
    _, n_pad, hh = hss.shape
    h = hh * NC
    c1 = Wc1.shape[1]
    c2 = Wc2.shape[1]
    steps = n_pad // R

    def body(acc_ref, hss_ref, dinv_ref, b_ref, bat_ref, wc1_ref, bc1_ref,
             wc2_ref, bc2_ref, out_ref, gsum, cnt):
        i = pl.program_id(0)

        @pl.when(i == 0)
        def _():
            gsum[...] = jnp.zeros_like(gsum)
            cnt[...] = jnp.zeros_like(cnt)

        s = jnp.concatenate(
            [acc_ref[0] + hss_ref[0], acc_ref[1] + hss_ref[1]], axis=1)
        hv = jnp.maximum(s * dinv_ref[...] + b_ref[...], 0.0)
        onehot = (bat_ref[...] ==
                  lax.broadcasted_iota(jnp.int32, (R, G), 1)).astype(jnp.float32)
        gsum[...] += lax.dot_general(onehot, hv, (((0,), (0,)), ((), ())),
                                     preferred_element_type=jnp.float32)
        cnt[...] += lax.dot_general(onehot, jnp.ones((R, 1), jnp.float32),
                                    (((0,), (0,)), ((), ())),
                                    preferred_element_type=jnp.float32)

        @pl.when(i == steps - 1)
        def _():
            g = gsum[...] / jnp.maximum(cnt[...], 1.0)
            z = jnp.maximum(jnp.dot(g, wc1_ref[...],
                                    preferred_element_type=jnp.float32)
                            + bc1_ref[...], 0.0)
            out_ref[...] = jnp.dot(z, wc2_ref[...],
                                   preferred_element_type=jnp.float32) + bc2_ref[...]

    return pl.pallas_call(
        body,
        grid=(steps,),
        in_specs=[
            pl.BlockSpec((NC, R, hh), lambda i: (0, i, 0)),
            pl.BlockSpec((NC, R, hh), lambda i: (0, i, 0)),
            pl.BlockSpec((R, 1), lambda i: (i, 0)),
            pl.BlockSpec((1, h), lambda i: (0, 0)),
            pl.BlockSpec((R, 1), lambda i: (i, 0)),
            pl.BlockSpec((h, c1), lambda i: (0, 0)),
            pl.BlockSpec((1, c1), lambda i: (0, 0)),
            pl.BlockSpec((c1, c2), lambda i: (0, 0)),
            pl.BlockSpec((1, c2), lambda i: (0, 0)),
        ],
        out_specs=pl.BlockSpec((G, c2), lambda i: (0, 0)),
        out_shape=jax.ShapeDtypeStruct((G, c2), jnp.float32),
        scratch_shapes=[
            pltpu.VMEM((G, h), jnp.float32),
            pltpu.VMEM((G, 1), jnp.float32),
        ],
    )(acc, hss, dinv, b.reshape(1, h), bcol, Wc1, bc1.reshape(1, c1),
      Wc2, bc2.reshape(1, c2))


def kernel(x, edge_index, batch, W1, b1, W2, b2, Wc1, bc1, Wc2, bc2):
    n, d = x.shape
    h = W1.shape[1]
    hh = h // NC
    e = edge_index.shape[1]
    src, dst = edge_index[0], edge_index[1]

    n_pad = _round_up(n, R)
    KL = 4 * LANES
    EPT = _round_up(-(-e // NS), 2 * KL)
    CB = EPT // KL
    e_pad = NS * EPT
    fill = jnp.full((e_pad - e,), n, jnp.int32)
    src_p = jnp.concatenate([src, fill])
    dst_p = jnp.concatenate([dst, fill])
    src3 = src_p.reshape(NS, CB, KL)
    dst3 = dst_p.reshape(NS, CB, KL)
    src3 = jnp.concatenate(
        [src3, jnp.full((NS, 1, KL), n, jnp.int32)], axis=1)
    KLd = 4 * LANES
    dst_deg = dst_p.reshape(NW, e_pad // (NW * KLd), KLd)

    xp = jnp.concatenate([x, jnp.zeros((n_pad - n, d), jnp.float32)])
    bcol = jnp.concatenate([batch, jnp.full((n_pad - n,), G, jnp.int32)])
    ones_blk = jnp.ones((KLd, 8), jnp.float32)
    zeros_n8 = jnp.zeros((n_pad, 8), jnp.float32)
    zeros_nhh = jnp.zeros((n_pad, hh), jnp.float32)

    degp = _sc_degree(dst_deg, ones_blk, zeros_n8, n_pad)
    hs1s, dinv = _tc_matmul_scale(xp, W1, degp)
    acc1 = _sc_scatter_rows(hs1s, src3, dst3, zeros_nhh, n_pad, hh)
    hs2s = _tc_layer(acc1, hs1s, dinv, b1, W2)
    acc2 = _sc_scatter_rows(hs2s, src3, dst3, zeros_nhh, n_pad, hh)
    return _tc_final(acc2, hs2s, dinv, b2, bcol.reshape(n_pad, 1),
                     Wc1, bc1, Wc2, bc2)

# --- scband reference (transcript-rebuilt; emitter-appended) ---
"""Pipeline reference for scband-gcnnet-35244501631400 (READ-ONLY COPY).

The authoritative reference and input builder live on the scoring server;
editing this copy changes nothing except your own understanding.
"""

import jax, jax.numpy as jnp
import numpy as np

N = 10000
E = 320000
D = 128
H = 64
G = 64


def setup_inputs(seed: int = 0) -> dict:
    key = jax.random.key(seed)
    ks = jax.random.split(key, 12)
    x = jax.random.normal(ks[0], (N, D), dtype=jnp.float32)
    edge_index = jax.random.randint(ks[1], (2, E), 0, N, dtype=jnp.int32)
    batch = jnp.sort(jax.random.randint(ks[2], (N,), 0, G, dtype=jnp.int32))
    W1 = jax.random.normal(ks[3], (D, H), dtype=jnp.float32) * (1.0 / np.sqrt(D))
    b1 = jnp.zeros((H,), dtype=jnp.float32)
    W2 = jax.random.normal(ks[4], (H, H), dtype=jnp.float32) * (1.0 / np.sqrt(H))
    b2 = jnp.zeros((H,), dtype=jnp.float32)
    Wc1 = jax.random.normal(ks[5], (H, 32), dtype=jnp.float32) * (1.0 / np.sqrt(H))
    bc1 = jnp.zeros((32,), dtype=jnp.float32)
    Wc2 = jax.random.normal(ks[6], (32, 2), dtype=jnp.float32) * (1.0 / np.sqrt(32))
    bc2 = jnp.zeros((2,), dtype=jnp.float32)
    return {"x": x, "edge_index": edge_index, "batch": batch,
            "W1": W1, "b1": b1, "W2": W2, "b2": b2,
            "Wc1": Wc1, "bc1": bc1, "Wc2": Wc2, "bc2": bc2}


def _gcn_conv(x, edge_index, W, b):
    n = x.shape[0]
    src = edge_index[0]
    dst = edge_index[1]
    # add self loops (PyG GCNConv default)
    sl = jnp.arange(n, dtype=src.dtype)
    src = jnp.concatenate([src, sl])
    dst = jnp.concatenate([dst, sl])
    # symmetric normalization: deg computed over dst with unit edge weights
    deg = jnp.zeros((n,), dtype=x.dtype).at[dst].add(1.0)
    dinv = 1.0 / jnp.sqrt(deg)  # deg >= 1 due to self loops
    norm = dinv[src] * dinv[dst]
    h = x @ W
    msg = h[src] * norm[:, None]
    out = jnp.zeros((n, W.shape[1]), dtype=x.dtype).at[dst].add(msg)
    return out + b


def _global_mean_pool(x, batch, num_graphs):
    sums = jax.ops.segment_sum(x, batch, num_segments=num_graphs)
    cnt = jax.ops.segment_sum(jnp.ones((x.shape[0], 1), dtype=x.dtype), batch, num_segments=num_graphs)
    return sums / jnp.maximum(cnt, 1.0)


def reference(x, edge_index, batch, W1, b1, W2, b2, Wc1, bc1, Wc2, bc2):
    h = jax.nn.relu(_gcn_conv(x, edge_index, W1, b1))
    h = jax.nn.relu(_gcn_conv(h, edge_index, W2, b2))
    g = _global_mean_pool(h, batch, G)
    # classifier: Linear -> ReLU -> Dropout(eval: identity) -> Linear
    g = jax.nn.relu(g @ Wc1 + bc1)
    out = g @ Wc2 + bc2
    return out

if __name__ == "__main__":
    import jax
    _d = setup_inputs()
    print(jax.jit(kernel)(*tuple(_d.values())))

</pallas_src>

<mosaic_0001>
#map = affine_map<(d0, d1) -> (0, 0, 0)>
#map1 = affine_map<(d0, d1) -> (0, 0)>
module attributes {stable_mosaic.version = 14 : i64} {
  func.func @deg_kernel(%arg0: i32, %arg1: i32, %arg2: memref<32x20x512xi32, #tpu.memory_space<hbm>>, %arg3: memref<512x8xf32, #tpu.memory_space<hbm>>, %arg4: memref<10240x8xf32, #tpu.memory_space<hbm>>, %arg5: memref<2x10240x8xf32, #tpu.memory_space<hbm>>, %arg6: memref<20x512xi32, #tpu.memory_space<vmem>>, %arg7: memref<512x8xf32, #tpu.memory_space<vmem>>, %arg8: memref<10240x8xf32, #tpu.memory_space<vmem_shared>>) attributes {dimension_semantics = [#tpu.dimension_semantics<core_parallel>, #tpu.dimension_semantics<subcore_parallel>], iteration_bounds = array<i64: 2, 16>, scalar_prefetch = 0 : i64, scratch_operands = 3 : i64, tpu.core_type = #tpu.core_type<sc_vector_subcore>, window_params = [{transform_indices = #map}, {transform_indices = #map1}, {transform_indices = #map1}, {transform_indices = #map}]} {
    %mul3A = arith.constant 2 : i32
    %mul3A_0 = arith.muli %arg1, %mul3A : i32
    %add3A = arith.addi %mul3A_0, %arg0 : i32
    %mul3A_1 = arith.constant 640 : i32
    %mul3A_2 = arith.muli %arg1, %mul3A_1 : i32
    %mul3A_3 = arith.constant 640 : i32
    %mul3A_4 = arith.muli %arg1, %mul3A_3 : i32
    "tpu.region"() ({
      %run_scoped3A = tpu.sem_alloc : memref<!tpu.dma_semaphore, #tpu.memory_space<semaphore_mem>>
      %dma_start3A = arith.constant 0 : i32
      %dma_start3A_14 = tpu.memref_slice %arg8[%mul3A_4, %dma_start3A] : memref<10240x8xf32, #tpu.memory_space<vmem_shared>> -> memref<640x8xf32, #tpu.memory_space<vmem_shared>>
      %dma_start3A_15 = arith.constant 0 : i32
      %dma_start3A_16 = tpu.memref_slice %arg4[%mul3A_2, %dma_start3A_15] : memref<10240x8xf32, #tpu.memory_space<hbm>> -> memref<640x8xf32, #tpu.memory_space<hbm>>
      tpu.enqueue_dma source(%dma_start3A_16 : memref<640x8xf32, #tpu.memory_space<hbm>>) target(%dma_start3A_14 : memref<640x8xf32, #tpu.memory_space<vmem_shared>>) target_semaphore(%run_scoped3A : memref<!tpu.dma_semaphore, #tpu.memory_space<semaphore_mem>>)
      %dma_wait3A = arith.constant 0 : i32
      %dma_wait3A_17 = tpu.memref_slice %arg8[%mul3A_4, %dma_wait3A] : memref<10240x8xf32, #tpu.memory_space<vmem_shared>> -> memref<640x8xf32, #tpu.memory_space<vmem_shared>>
      %dma_wait3A_18 = arith.constant 0 : i32
      %dma_wait3A_19 = tpu.memref_slice %arg4[%mul3A_2, %dma_wait3A_18] : memref<10240x8xf32, #tpu.memory_space<hbm>> -> memref<640x8xf32, #tpu.memory_space<hbm>>
      tpu.wait_dma2 semaphore(%run_scoped3A : memref<!tpu.dma_semaphore, #tpu.memory_space<semaphore_mem>>) src(%dma_wait3A_19 : memref<640x8xf32, #tpu.memory_space<hbm>>) dst(%dma_wait3A_17 : memref<640x8xf32, #tpu.memory_space<vmem_shared>>)
      tpu.yield
    }) : () -> ()
    "tpu.region"() ({
      %run_scoped3A = tpu.sem_alloc : memref<!tpu.dma_semaphore, #tpu.memory_space<semaphore_mem>>
      tpu.enqueue_dma source(%arg3 : memref<512x8xf32, #tpu.memory_space<hbm>>) target(%arg7 : memref<512x8xf32, #tpu.memory_space<vmem>>) target_semaphore(%run_scoped3A : memref<!tpu.dma_semaphore, #tpu.memory_space<semaphore_mem>>)
      tpu.wait_dma2 semaphore(%run_scoped3A : memref<!tpu.dma_semaphore, #tpu.memory_space<semaphore_mem>>) src(%arg3 : memref<512x8xf32, #tpu.memory_space<hbm>>) dst(%arg7 : memref<512x8xf32, #tpu.memory_space<vmem>>)
      tpu.yield
    }) : () -> ()
    "tpu.region"() ({
      %run_scoped3A = tpu.sem_alloc : memref<!tpu.dma_semaphore, #tpu.memory_space<semaphore_mem>>
      %dma_start3A = arith.constant 0 : i32
      %dma_start3A_14 = arith.constant 0 : i32
      %dma_start3A_15 = tpu.memref_slice %arg2[%add3A, %dma_start3A, %dma_start3A_14] : memref<32x20x512xi32, #tpu.memory_space<hbm>> -> memref<1x20x512xi32, #tpu.memory_space<hbm>>
      %dma_start3A_16 = tpu.memref_squeeze %dma_start3A_15 : memref<1x20x512xi32, #tpu.memory_space<hbm>> -> memref<20x512xi32, #tpu.memory_space<hbm>>
      %dma_start3A_17 = arith.constant 0 : i32
      %dma_start3A_18 = arith.constant 0 : i32
      %dma_start3A_19 = tpu.memref_slice %arg2[%add3A, %dma_start3A_17, %dma_start3A_18] : memref<32x20x512xi32, #tpu.memory_space<hbm>> -> memref<1x20x512xi32, #tpu.memory_space<hbm>>
      %dma_start3A_20 = tpu.memref_squeeze %dma_start3A_19 : memref<1x20x512xi32, #tpu.memory_space<hbm>> -> memref<20x512xi32, #tpu.memory_space<hbm>>
      tpu.enqueue_dma source(%dma_start3A_20 : memref<20x512xi32, #tpu.memory_space<hbm>>) target(%arg6 : memref<20x512xi32, #tpu.memory_space<vmem>>) target_semaphore(%run_scoped3A : memref<!tpu.dma_semaphore, #tpu.memory_space<semaphore_mem>>)
      %dma_wait3A = arith.constant 0 : i32
      %dma_wait3A_21 = arith.constant 0 : i32
      %dma_wait3A_22 = tpu.memref_slice %arg2[%add3A, %dma_wait3A, %dma_wait3A_21] : memref<32x20x512xi32, #tpu.memory_space<hbm>> -> memref<1x20x512xi32, #tpu.memory_space<hbm>>
      %dma_wait3A_23 = tpu.memref_squeeze %dma_wait3A_22 : memref<1x20x512xi32, #tpu.memory_space<hbm>> -> memref<20x512xi32, #tpu.memory_space<hbm>>
      %dma_wait3A_24 = arith.constant 0 : i32
      %dma_wait3A_25 = arith.constant 0 : i32
      %dma_wait3A_26 = tpu.memref_slice %arg2[%add3A, %dma_wait3A_24, %dma_wait3A_25] : memref<32x20x512xi32, #tpu.memory_space<hbm>> -> memref<1x20x512xi32, #tpu.memory_space<hbm>>
      %dma_wait3A_27 = tpu.memref_squeeze %dma_wait3A_26 : memref<1x20x512xi32, #tpu.memory_space<hbm>> -> memref<20x512xi32, #tpu.memory_space<hbm>>
      tpu.wait_dma2 semaphore(%run_scoped3A : memref<!tpu.dma_semaphore, #tpu.memory_space<semaphore_mem>>) src(%dma_wait3A_27 : memref<20x512xi32, #tpu.memory_space<hbm>>) dst(%arg6 : memref<20x512xi32, #tpu.memory_space<vmem>>)
      tpu.yield
    }) : () -> ()
    %barrier3A = arith.constant 0 : index
    tpu.barrier barrier_id(%barrier3A)
    %scan3A = arith.constant 0 : i32
    %scan3A_5 = arith.constant 20 : i32
    %scan3A_6 = arith.addi %scan3A, %scan3A_5 : i32
    %scan3A_7 = arith.constant 1 : i32
    scf.for %scan3A_14 = %scan3A to %scan3A_6 step %scan3A_7  : i32 {
      %mul3A_15 = arith.constant 1 : i32
      %mul3A_16 = arith.muli %scan3A_14, %mul3A_15 : i32
      %add3A_17 = arith.constant 0 : i32
      %add3A_18 = arith.addi %add3A_17, %mul3A_16 : i32
      "tpu.region"() ({
        %run_scoped3A = tpu.sem_alloc : memref<!tpu.dma_semaphore, #tpu.memory_space<semaphore_mem>>
        %dma_start3A = arith.constant 0 : i32
        %dma_start3A_19 = tpu.memref_slice %arg6[%add3A_18, %dma_start3A] : memref<20x512xi32, #tpu.memory_space<vmem>> -> memref<1x512xi32, #tpu.memory_space<vmem>>
        %dma_start3A_20 = tpu.memref_squeeze %dma_start3A_19 : memref<1x512xi32, #tpu.memory_space<vmem>> -> memref<512xi32, #tpu.memory_space<vmem>>
        %dma_start3A_21 = arith.constant 0 : i32
        %dma_start3A_22 = arith.constant 0 : i32
        %dma_start3A_23 = tpu.memref_slice %arg8[%dma_start3A_21, %dma_start3A_22] : memref<10240x8xf32, #tpu.memory_space<vmem_shared>> -> memref<10240x8xf32, #tpu.memory_space<vmem_shared>>
        tpu.enqueue_indirect_dma source(%arg7 : memref<512x8xf32, #tpu.memory_space<vmem>>) target(%dma_start3A_23 : memref<10240x8xf32, #tpu.memory_space<vmem_shared>>) offsets(%dma_start3A_20 : memref<512xi32, #tpu.memory_space<vmem>>) semaphore(%run_scoped3A : memref<!tpu.dma_semaphore, #tpu.memory_space<semaphore_mem>>) {add = true}
        %dma_wait3A = arith.constant 0 : i32
        %dma_wait3A_24 = tpu.memref_slice %arg6[%add3A_18, %dma_wait3A] : memref<20x512xi32, #tpu.memory_space<vmem>> -> memref<1x512xi32, #tpu.memory_space<vmem>>
        %dma_wait3A_25 = tpu.memref_squeeze %dma_wait3A_24 : memref<1x512xi32, #tpu.memory_space<vmem>> -> memref<512xi32, #tpu.memory_space<vmem>>
        %dma_wait3A_26 = arith.constant 0 : i32
        %dma_wait3A_27 = arith.constant 0 : i32
        %dma_wait3A_28 = tpu.memref_slice %arg8[%dma_wait3A_26, %dma_wait3A_27] : memref<10240x8xf32, #tpu.memory_space<vmem_shared>> -> memref<10240x8xf32, #tpu.memory_space<vmem_shared>>
        tpu.wait_indirect_dma semaphore(%run_scoped3A : memref<!tpu.dma_semaphore, #tpu.memory_space<semaphore_mem>>) src(%arg7 : memref<512x8xf32, #tpu.memory_space<vmem>>) dst(%dma_wait3A_28 : memref<10240x8xf32, #tpu.memory_space<vmem_shared>>)
        tpu.yield
      }) : () -> ()
    }
    %scan3A_8 = arith.constant 20 : i32
    %barrier3A_9 = arith.constant 0 : index
    tpu.barrier barrier_id(%barrier3A_9)
    %mul3A_10 = arith.constant 640 : i32
    %mul3A_11 = arith.muli %arg1, %mul3A_10 : i32
    %mul3A_12 = arith.constant 640 : i32
    %mul3A_13 = arith.muli %arg1, %mul3A_12 : i32
    "tpu.region"() ({
      %run_scoped3A = tpu.sem_alloc : memref<!tpu.dma_semaphore, #tpu.memory_space<semaphore_mem>>
      %dma_start3A = arith.constant 0 : i32
      %dma_start3A_14 = tpu.memref_slice %arg5[%arg0, %mul3A_13, %dma_start3A] : memref<2x10240x8xf32, #tpu.memory_space<hbm>> -> memref<1x640x8xf32, #tpu.memory_space<hbm>>
      %dma_start3A_15 = tpu.memref_squeeze %dma_start3A_14 : memref<1x640x8xf32, #tpu.memory_space<hbm>> -> memref<640x8xf32, #tpu.memory_space<hbm>>
      %dma_start3A_16 = arith.constant 0 : i32
      %dma_start3A_17 = tpu.memref_slice %arg8[%mul3A_11, %dma_start3A_16] : memref<10240x8xf32, #tpu.memory_space<vmem_shared>> -> memref<640x8xf32, #tpu.memory_space<vmem_shared>>
      tpu.enqueue_dma source(%dma_start3A_17 : memref<640x8xf32, #tpu.memory_space<vmem_shared>>) target(%dma_start3A_15 : memref<640x8xf32, #tpu.memory_space<hbm>>) target_semaphore(%run_scoped3A : memref<!tpu.dma_semaphore, #tpu.memory_space<semaphore_mem>>)
      %dma_wait3A = arith.constant 0 : i32
      %dma_wait3A_18 = tpu.memref_slice %arg5[%arg0, %mul3A_13, %dma_wait3A] : memref<2x10240x8xf32, #tpu.memory_space<hbm>> -> memref<1x640x8xf32, #tpu.memory_space<hbm>>
      %dma_wait3A_19 = tpu.memref_squeeze %dma_wait3A_18 : memref<1x640x8xf32, #tpu.memory_space<hbm>> -> memref<640x8xf32, #tpu.memory_space<hbm>>
      %dma_wait3A_20 = arith.constant 0 : i32
      %dma_wait3A_21 = tpu.memref_slice %arg8[%mul3A_11, %dma_wait3A_20] : memref<10240x8xf32, #tpu.memory_space<vmem_shared>> -> memref<640x8xf32, #tpu.memory_space<vmem_shared>>
      tpu.wait_dma2 semaphore(%run_scoped3A : memref<!tpu.dma_semaphore, #tpu.memory_space<semaphore_mem>>) src(%dma_wait3A_21 : memref<640x8xf32, #tpu.memory_space<vmem_shared>>) dst(%dma_wait3A_19 : memref<640x8xf32, #tpu.memory_space<hbm>>)
      tpu.yield
    }) : () -> ()
    return
  }
}

#map = affine_map<(d0, d1) -> (0, 0, 0)>
#map1 = affine_map<(d0, d1) -> (0, 0)>
module attributes {stable_mosaic.version = 14 : i64} {
  func.func @msg_kernel(%arg0: i32, %arg1: i32, %arg2: memref<2x10240x32xf32, #tpu.memory_space<hbm>>, %arg3: memref<16x41x512xi32, #tpu.memory_space<hbm>>, %arg4: memref<16x40x512xi32, #tpu.memory_space<hbm>>, %arg5: memref<10240x32xf32, #tpu.memory_space<hbm>>, %arg6: memref<2x10240x32xf32, #tpu.memory_space<hbm>>, %arg7: memref<41x512xi32, #tpu.memory_space<vmem>>, %arg8: memref<40x512xi32, #tpu.memory_space<vmem>>, %arg9: memref<512x32xf32, #tpu.memory_space<vmem>>, %arg10: memref<512x32xf32, #tpu.memory_space<vmem>>, %arg11: memref<10240x32xf32, #tpu.memory_space<vmem_shared>>, %arg12: memref<10240x32xf32, #tpu.memory_space<vmem_shared>>, %arg13: memref<!tpu.dma_semaphore, #tpu.memory_space<semaphore_mem>>, %arg14: memref<!tpu.dma_semaphore, #tpu.memory_space<semaphore_mem>>, %arg15: memref<!tpu.dma_semaphore, #tpu.memory_space<semaphore_mem>>, %arg16: memref<!tpu.dma_semaphore, #tpu.memory_space<semaphore_mem>>) attributes {dimension_semantics = [#tpu.dimension_semantics<core_parallel>, #tpu.dimension_semantics<subcore_parallel>], iteration_bounds = array<i64: 2, 16>, scalar_prefetch = 0 : i64, scratch_operands = 10 : i64, tpu.core_type = #tpu.core_type<sc_vector_subcore>, window_params = [{transform_indices = #map}, {transform_indices = #map}, {transform_indices = #map}, {transform_indices = #map1}, {transform_indices = #map}]} {
    %mul3A = arith.constant 640 : i32
    %mul3A_0 = arith.muli %arg1, %mul3A : i32
    %mul3A_1 = arith.constant 640 : i32
    %mul3A_2 = arith.muli %arg1, %mul3A_1 : i32
    "tpu.region"() ({
      %run_scoped3A = tpu.sem_alloc : memref<!tpu.dma_semaphore, #tpu.memory_space<semaphore_mem>>
      %dma_start3A_35 = arith.constant 0 : i32
      %dma_start3A_36 = tpu.memref_slice %arg11[%mul3A_2, %dma_start3A_35] : memref<10240x32xf32, #tpu.memory_space<vmem_shared>> -> memref<640x32xf32, #tpu.memory_space<vmem_shared>>
      %dma_start3A_37 = arith.constant 0 : i32
      %dma_start3A_38 = tpu.memref_slice %arg2[%arg0, %mul3A_0, %dma_start3A_37] : memref<2x10240x32xf32, #tpu.memory_space<hbm>> -> memref<1x640x32xf32, #tpu.memory_space<hbm>>
      %dma_start3A_39 = tpu.memref_squeeze %dma_start3A_38 : memref<1x640x32xf32, #tpu.memory_space<hbm>> -> memref<640x32xf32, #tpu.memory_space<hbm>>
      tpu.enqueue_dma source(%dma_start3A_39 : memref<640x32xf32, #tpu.memory_space<hbm>>) target(%dma_start3A_36 : memref<640x32xf32, #tpu.memory_space<vmem_shared>>) target_semaphore(%run_scoped3A : memref<!tpu.dma_semaphore, #tpu.memory_space<semaphore_mem>>)
      %dma_wait3A_40 = arith.constant 0 : i32
      %dma_wait3A_41 = tpu.memref_slice %arg11[%mul3A_2, %dma_wait3A_40] : memref<10240x32xf32, #tpu.memory_space<vmem_shared>> -> memref<640x32xf32, #tpu.memory_space<vmem_shared>>
      %dma_wait3A_42 = arith.constant 0 : i32
      %dma_wait3A_43 = tpu.memref_slice %arg2[%arg0, %mul3A_0, %dma_wait3A_42] : memref<2x10240x32xf32, #tpu.memory_space<hbm>> -> memref<1x640x32xf32, #tpu.memory_space<hbm>>
      %dma_wait3A_44 = tpu.memref_squeeze %dma_wait3A_43 : memref<1x640x32xf32, #tpu.memory_space<hbm>> -> memref<640x32xf32, #tpu.memory_space<hbm>>
      tpu.wait_dma2 semaphore(%run_scoped3A : memref<!tpu.dma_semaphore, #tpu.memory_space<semaphore_mem>>) src(%dma_wait3A_44 : memref<640x32xf32, #tpu.memory_space<hbm>>) dst(%dma_wait3A_41 : memref<640x32xf32, #tpu.memory_space<vmem_shared>>)
      tpu.yield
    }) : () -> ()
    %mul3A_3 = arith.constant 640 : i32
    %mul3A_4 = arith.muli %arg1, %mul3A_3 : i32
    %mul3A_5 = arith.constant 640 : i32
    %mul3A_6 = arith.muli %arg1, %mul3A_5 : i32
    "tpu.region"() ({
      %run_scoped3A = tpu.sem_alloc : memref<!tpu.dma_semaphore, #tpu.memory_space<semaphore_mem>>
      %dma_start3A_35 = arith.constant 0 : i32
      %dma_start3A_36 = tpu.memref_slice %arg12[%mul3A_6, %dma_start3A_35] : memref<10240x32xf32, #tpu.memory_space<vmem_shared>> -> memref<640x32xf32, #tpu.memory_space<vmem_shared>>
      %dma_start3A_37 = arith.constant 0 : i32
      %dma_start3A_38 = tpu.memref_slice %arg5[%mul3A_4, %dma_start3A_37] : memref<10240x32xf32, #tpu.memory_space<hbm>> -> memref<640x32xf32, #tpu.memory_space<hbm>>
      tpu.enqueue_dma source(%dma_start3A_38 : memref<640x32xf32, #tpu.memory_space<hbm>>) target(%dma_start3A_36 : memref<640x32xf32, #tpu.memory_space<vmem_shared>>) target_semaphore(%run_scoped3A : memref<!tpu.dma_semaphore, #tpu.memory_space<semaphore_mem>>)
      %dma_wait3A_39 = arith.constant 0 : i32
      %dma_wait3A_40 = tpu.memref_slice %arg12[%mul3A_6, %dma_wait3A_39] : memref<10240x32xf32, #tpu.memory_space<vmem_shared>> -> memref<640x32xf32, #tpu.memory_space<vmem_shared>>
      %dma_wait3A_41 = arith.constant 0 : i32
      %dma_wait3A_42 = tpu.memref_slice %arg5[%mul3A_4, %dma_wait3A_41] : memref<10240x32xf32, #tpu.memory_space<hbm>> -> memref<640x32xf32, #tpu.memory_space<hbm>>
      tpu.wait_dma2 semaphore(%run_scoped3A : memref<!tpu.dma_semaphore, #tpu.memory_space<semaphore_mem>>) src(%dma_wait3A_42 : memref<640x32xf32, #tpu.memory_space<hbm>>) dst(%dma_wait3A_40 : memref<640x32xf32, #tpu.memory_space<vmem_shared>>)
      tpu.yield
    }) : () -> ()
    "tpu.region"() ({
      %run_scoped3A = tpu.sem_alloc : memref<!tpu.dma_semaphore, #tpu.memory_space<semaphore_mem>>
      %dma_start3A_35 = arith.constant 0 : i32
      %dma_start3A_36 = arith.constant 0 : i32
      %dma_start3A_37 = tpu.memref_slice %arg3[%arg1, %dma_start3A_35, %dma_start3A_36] : memref<16x41x512xi32, #tpu.memory_space<hbm>> -> memref<1x41x512xi32, #tpu.memory_space<hbm>>
      %dma_start3A_38 = tpu.memref_squeeze %dma_start3A_37 : memref<1x41x512xi32, #tpu.memory_space<hbm>> -> memref<41x512xi32, #tpu.memory_space<hbm>>
      %dma_start3A_39 = arith.constant 0 : i32
      %dma_start3A_40 = arith.constant 0 : i32
      %dma_start3A_41 = tpu.memref_slice %arg3[%arg1, %dma_start3A_39, %dma_start3A_40] : memref<16x41x512xi32, #tpu.memory_space<hbm>> -> memref<1x41x512xi32, #tpu.memory_space<hbm>>
      %dma_start3A_42 = tpu.memref_squeeze %dma_start3A_41 : memref<1x41x512xi32, #tpu.memory_space<hbm>> -> memref<41x512xi32, #tpu.memory_space<hbm>>
      tpu.enqueue_dma source(%dma_start3A_42 : memref<41x512xi32, #tpu.memory_space<hbm>>) target(%arg7 : memref<41x512xi32, #tpu.memory_space<vmem>>) target_semaphore(%run_scoped3A : memref<!tpu.dma_semaphore, #tpu.memory_space<semaphore_mem>>)
      %dma_wait3A_43 = arith.constant 0 : i32
      %dma_wait3A_44 = arith.constant 0 : i32
      %dma_wait3A_45 = tpu.memref_slice %arg3[%arg1, %dma_wait3A_43, %dma_wait3A_44] : memref<16x41x512xi32, #tpu.memory_space<hbm>> -> memref<1x41x512xi32, #tpu.memory_space<hbm>>
      %dma_wait3A_46 = tpu.memref_squeeze %dma_wait3A_45 : memref<1x41x512xi32, #tpu.memory_space<hbm>> -> memref<41x512xi32, #tpu.memory_space<hbm>>
      %dma_wait3A_47 = arith.constant 0 : i32
      %dma_wait3A_48 = arith.constant 0 : i32
      %dma_wait3A_49 = tpu.memref_slice %arg3[%arg1, %dma_wait3A_47, %dma_wait3A_48] : memref<16x41x512xi32, #tpu.memory_space<hbm>> -> memref<1x41x512xi32, #tpu.memory_space<hbm>>
      %dma_wait3A_50 = tpu.memref_squeeze %dma_wait3A_49 : memref<1x41x512xi32, #tpu.memory_space<hbm>> -> memref<41x512xi32, #tpu.memory_space<hbm>>
      tpu.wait_dma2 semaphore(%run_scoped3A : memref<!tpu.dma_semaphore, #tpu.memory_space<semaphore_mem>>) src(%dma_wait3A_50 : memref<41x512xi32, #tpu.memory_space<hbm>>) dst(%arg7 : memref<41x512xi32, #tpu.memory_space<vmem>>)
      tpu.yield
    }) : () -> ()
    "tpu.region"() ({
      %run_scoped3A = tpu.sem_alloc : memref<!tpu.dma_semaphore, #tpu.memory_space<semaphore_mem>>
      %dma_start3A_35 = arith.constant 0 : i32
      %dma_start3A_36 = arith.constant 0 : i32
      %dma_start3A_37 = tpu.memref_slice %arg4[%arg1, %dma_start3A_35, %dma_start3A_36] : memref<16x40x512xi32, #tpu.memory_space<hbm>> -> memref<1x40x512xi32, #tpu.memory_space<hbm>>
      %dma_start3A_38 = tpu.memref_squeeze %dma_start3A_37 : memref<1x40x512xi32, #tpu.memory_space<hbm>> -> memref<40x512xi32, #tpu.memory_space<hbm>>
      %dma_start3A_39 = arith.constant 0 : i32
      %dma_start3A_40 = arith.constant 0 : i32
      %dma_start3A_41 = tpu.memref_slice %arg4[%arg1, %dma_start3A_39, %dma_start3A_40] : memref<16x40x512xi32, #tpu.memory_space<hbm>> -> memref<1x40x512xi32, #tpu.memory_space<hbm>>
      %dma_start3A_42 = tpu.memref_squeeze %dma_start3A_41 : memref<1x40x512xi32, #tpu.memory_space<hbm>> -> memref<40x512xi32, #tpu.memory_space<hbm>>
      tpu.enqueue_dma source(%dma_start3A_42 : memref<40x512xi32, #tpu.memory_space<hbm>>) target(%arg8 : memref<40x512xi32, #tpu.memory_space<vmem>>) target_semaphore(%run_scoped3A : memref<!tpu.dma_semaphore, #tpu.memory_space<semaphore_mem>>)
      %dma_wait3A_43 = arith.constant 0 : i32
      %dma_wait3A_44 = arith.constant 0 : i32
      %dma_wait3A_45 = tpu.memref_slice %arg4[%arg1, %dma_wait3A_43, %dma_wait3A_44] : memref<16x40x512xi32, #tpu.memory_space<hbm>> -> memref<1x40x512xi32, #tpu.memory_space<hbm>>
      %dma_wait3A_46 = tpu.memref_squeeze %dma_wait3A_45 : memref<1x40x512xi32, #tpu.memory_space<hbm>> -> memref<40x512xi32, #tpu.memory_space<hbm>>
      %dma_wait3A_47 = arith.constant 0 : i32
      %dma_wait3A_48 = arith.constant 0 : i32
      %dma_wait3A_49 = tpu.memref_slice %arg4[%arg1, %dma_wait3A_47, %dma_wait3A_48] : memref<16x40x512xi32, #tpu.memory_space<hbm>> -> memref<1x40x512xi32, #tpu.memory_space<hbm>>
      %dma_wait3A_50 = tpu.memref_squeeze %dma_wait3A_49 : memref<1x40x512xi32, #tpu.memory_space<hbm>> -> memref<40x512xi32, #tpu.memory_space<hbm>>
      tpu.wait_dma2 semaphore(%run_scoped3A : memref<!tpu.dma_semaphore, #tpu.memory_space<semaphore_mem>>) src(%dma_wait3A_50 : memref<40x512xi32, #tpu.memory_space<hbm>>) dst(%arg8 : memref<40x512xi32, #tpu.memory_space<vmem>>)
      tpu.yield
    }) : () -> ()
    %barrier3A = arith.constant 0 : index
    tpu.barrier barrier_id(%barrier3A)
    %dma_start3A = arith.constant 0 : i32
    %dma_start3A_7 = arith.constant 0 : i32
    %dma_start3A_8 = tpu.memref_slice %arg7[%dma_start3A, %dma_start3A_7] : memref<41x512xi32, #tpu.memory_space<vmem>> -> memref<1x512xi32, #tpu.memory_space<vmem>>
    %dma_start3A_9 = tpu.memref_squeeze %dma_start3A_8 : memref<1x512xi32, #tpu.memory_space<vmem>> -> memref<512xi32, #tpu.memory_space<vmem>>
    %dma_start3A_10 = arith.constant 0 : i32
    %dma_start3A_11 = arith.constant 0 : i32
    %dma_start3A_12 = tpu.memref_slice %arg11[%dma_start3A_10, %dma_start3A_11] : memref<10240x32xf32, #tpu.memory_space<vmem_shared>> -> memref<10240x32xf32, #tpu.memory_space<vmem_shared>>
    tpu.enqueue_indirect_dma source(%dma_start3A_12 : memref<10240x32xf32, #tpu.memory_space<vmem_shared>>) target(%arg9 : memref<512x32xf32, #tpu.memory_space<vmem>>) offsets(%dma_start3A_9 : memref<512xi32, #tpu.memory_space<vmem>>) semaphore(%arg13 : memref<!tpu.dma_semaphore, #tpu.memory_space<semaphore_mem>>)
    %scan3A = arith.constant 0 : i32
    %scan3A_13 = arith.constant 20 : i32
    %scan3A_14 = arith.addi %scan3A, %scan3A_13 : i32
    %scan3A_15 = arith.constant 1 : i32
    scf.for %scan3A_35 = %scan3A to %scan3A_14 step %scan3A_15  : i32 {
      %mul3A_36 = arith.constant 2 : i32
      %mul3A_37 = arith.muli %scan3A_35, %mul3A_36 : i32
      %add3A = arith.constant 0 : i32
      %add3A_38 = arith.addi %add3A, %mul3A_37 : i32
      %gt3A = arith.constant 0 : i32
      %gt3A_39 = arith.cmpi sgt, %add3A_38, %gt3A : i32
      %convert_element_type3A = arith.extui %gt3A_39 : i1 to i32
      %cond3A = arith.constant 0 : i32
      %cond3A_40 = arith.cmpi ne, %convert_element_type3A, %cond3A : i32
      scf.if %cond3A_40 {
        %sub3A = arith.constant 1 : i32
        %sub3A_91 = arith.subi %add3A_38, %sub3A : i32
        %dma_wait3A_92 = arith.constant 0 : i32
        %dma_wait3A_93 = tpu.memref_slice %arg8[%sub3A_91, %dma_wait3A_92] : memref<40x512xi32, #tpu.memory_space<vmem>> -> memref<1x512xi32, #tpu.memory_space<vmem>>
        %dma_wait3A_94 = tpu.memref_squeeze %dma_wait3A_93 : memref<1x512xi32, #tpu.memory_space<vmem>> -> memref<512xi32, #tpu.memory_space<vmem>>
        %dma_wait3A_95 = arith.constant 0 : i32
        %dma_wait3A_96 = arith.constant 0 : i32
        %dma_wait3A_97 = tpu.memref_slice %arg12[%dma_wait3A_95, %dma_wait3A_96] : memref<10240x32xf32, #tpu.memory_space<vmem_shared>> -> memref<10240x32xf32, #tpu.memory_space<vmem_shared>>
        tpu.wait_indirect_dma semaphore(%arg16 : memref<!tpu.dma_semaphore, #tpu.memory_space<semaphore_mem>>) src(%arg10 : memref<512x32xf32, #tpu.memory_space<vmem>>) dst(%dma_wait3A_97 : memref<10240x32xf32, #tpu.memory_space<vmem_shared>>)
      } else {
      }
      %add3A_41 = arith.constant 1 : i32
      %add3A_42 = arith.addi %add3A_38, %add3A_41 : i32
      %dma_start3A_43 = arith.constant 0 : i32
      %dma_start3A_44 = tpu.memref_slice %arg7[%add3A_42, %dma_start3A_43] : memref<41x512xi32, #tpu.memory_space<vmem>> -> memref<1x512xi32, #tpu.memory_space<vmem>>
      %dma_start3A_45 = tpu.memref_squeeze %dma_start3A_44 : memref<1x512xi32, #tpu.memory_space<vmem>> -> memref<512xi32, #tpu.memory_space<vmem>>
      %dma_start3A_46 = arith.constant 0 : i32
      %dma_start3A_47 = arith.constant 0 : i32
      %dma_start3A_48 = tpu.memref_slice %arg11[%dma_start3A_46, %dma_start3A_47] : memref<10240x32xf32, #tpu.memory_space<vmem_shared>> -> memref<10240x32xf32, #tpu.memory_space<vmem_shared>>
      tpu.enqueue_indirect_dma source(%dma_start3A_48 : memref<10240x32xf32, #tpu.memory_space<vmem_shared>>) target(%arg10 : memref<512x32xf32, #tpu.memory_space<vmem>>) offsets(%dma_start3A_45 : memref<512xi32, #tpu.memory_space<vmem>>) semaphore(%arg14 : memref<!tpu.dma_semaphore, #tpu.memory_space<semaphore_mem>>)
      %dma_wait3A_49 = arith.constant 0 : i32
      %dma_wait3A_50 = tpu.memref_slice %arg7[%add3A_38, %dma_wait3A_49] : memref<41x512xi32, #tpu.memory_space<vmem>> -> memref<1x512xi32, #tpu.memory_space<vmem>>
      %dma_wait3A_51 = tpu.memref_squeeze %dma_wait3A_50 : memref<1x512xi32, #tpu.memory_space<vmem>> -> memref<512xi32, #tpu.memory_space<vmem>>
      %dma_wait3A_52 = arith.constant 0 : i32
      %dma_wait3A_53 = arith.constant 0 : i32
      %dma_wait3A_54 = tpu.memref_slice %arg11[%dma_wait3A_52, %dma_wait3A_53] : memref<10240x32xf32, #tpu.memory_space<vmem_shared>> -> memref<10240x32xf32, #tpu.memory_space<vmem_shared>>
      tpu.wait_indirect_dma semaphore(%arg13 : memref<!tpu.dma_semaphore, #tpu.memory_space<semaphore_mem>>) src(%dma_wait3A_54 : memref<10240x32xf32, #tpu.memory_space<vmem_shared>>) dst(%arg9 : memref<512x32xf32, #tpu.memory_space<vmem>>)
      %dma_start3A_55 = arith.constant 0 : i32
      %dma_start3A_56 = tpu.memref_slice %arg8[%add3A_38, %dma_start3A_55] : memref<40x512xi32, #tpu.memory_space<vmem>> -> memref<1x512xi32, #tpu.memory_space<vmem>>
      %dma_start3A_57 = tpu.memref_squeeze %dma_start3A_56 : memref<1x512xi32, #tpu.memory_space<vmem>> -> memref<512xi32, #tpu.memory_space<vmem>>
      %dma_start3A_58 = arith.constant 0 : i32
      %dma_start3A_59 = arith.constant 0 : i32
      %dma_start3A_60 = tpu.memref_slice %arg12[%dma_start3A_58, %dma_start3A_59] : memref<10240x32xf32, #tpu.memory_space<vmem_shared>> -> memref<10240x32xf32, #tpu.memory_space<vmem_shared>>
      tpu.enqueue_indirect_dma source(%arg9 : memref<512x32xf32, #tpu.memory_space<vmem>>) target(%dma_start3A_60 : memref<10240x32xf32, #tpu.memory_space<vmem_shared>>) offsets(%dma_start3A_57 : memref<512xi32, #tpu.memory_space<vmem>>) semaphore(%arg15 : memref<!tpu.dma_semaphore, #tpu.memory_space<semaphore_mem>>) {add = true}
      %dma_wait3A_61 = arith.constant 0 : i32
      %dma_wait3A_62 = tpu.memref_slice %arg8[%add3A_38, %dma_wait3A_61] : memref<40x512xi32, #tpu.memory_space<vmem>> -> memref<1x512xi32, #tpu.memory_space<vmem>>
      %dma_wait3A_63 = tpu.memref_squeeze %dma_wait3A_62 : memref<1x512xi32, #tpu.memory_space<vmem>> -> memref<512xi32, #tpu.memory_space<vmem>>
      %dma_wait3A_64 = arith.constant 0 : i32
      %dma_wait3A_65 = arith.constant 0 : i32
      %dma_wait3A_66 = tpu.memref_slice %arg12[%dma_wait3A_64, %dma_wait3A_65] : memref<10240x32xf32, #tpu.memory_space<vmem_shared>> -> memref<10240x32xf32, #tpu.memory_space<vmem_shared>>
      tpu.wait_indirect_dma semaphore(%arg15 : memref<!tpu.dma_semaphore, #tpu.memory_space<semaphore_mem>>) src(%arg9 : memref<512x32xf32, #tpu.memory_space<vmem>>) dst(%dma_wait3A_66 : memref<10240x32xf32, #tpu.memory_space<vmem_shared>>)
      %add3A_67 = arith.constant 2 : i32
      %add3A_68 = arith.addi %add3A_38, %add3A_67 : i32
      %dma_start3A_69 = arith.constant 0 : i32
      %dma_start3A_70 = tpu.memref_slice %arg7[%add3A_68, %dma_start3A_69] : memref<41x512xi32, #tpu.memory_space<vmem>> -> memref<1x512xi32, #tpu.memory_space<vmem>>
      %dma_start3A_71 = tpu.memref_squeeze %dma_start3A_70 : memref<1x512xi32, #tpu.memory_space<vmem>> -> memref<512xi32, #tpu.memory_space<vmem>>
      %dma_start3A_72 = arith.constant 0 : i32
      %dma_start3A_73 = arith.constant 0 : i32
      %dma_start3A_74 = tpu.memref_slice %arg11[%dma_start3A_72, %dma_start3A_73] : memref<10240x32xf32, #tpu.memory_space<vmem_shared>> -> memref<10240x32xf32, #tpu.memory_space<vmem_shared>>
      tpu.enqueue_indirect_dma source(%dma_start3A_74 : memref<10240x32xf32, #tpu.memory_space<vmem_shared>>) target(%arg9 : memref<512x32xf32, #tpu.memory_space<vmem>>) offsets(%dma_start3A_71 : memref<512xi32, #tpu.memory_space<vmem>>) semaphore(%arg13 : memref<!tpu.dma_semaphore, #tpu.memory_space<semaphore_mem>>)
      %add3A_75 = arith.constant 1 : i32
      %add3A_76 = arith.addi %add3A_38, %add3A_75 : i32
      %dma_wait3A_77 = arith.constant 0 : i32
      %dma_wait3A_78 = tpu.memref_slice %arg7[%add3A_76, %dma_wait3A_77] : memref<41x512xi32, #tpu.memory_space<vmem>> -> memref<1x512xi32, #tpu.memory_space<vmem>>
      %dma_wait3A_79 = tpu.memref_squeeze %dma_wait3A_78 : memref<1x512xi32, #tpu.memory_space<vmem>> -> memref<512xi32, #tpu.memory_space<vmem>>
      %dma_wait3A_80 = arith.constant 0 : i32
      %dma_wait3A_81 = arith.constant 0 : i32
      %dma_wait3A_82 = tpu.memref_slice %arg11[%dma_wait3A_80, %dma_wait3A_81] : memref<10240x32xf32, #tpu.memory_space<vmem_shared>> -> memref<10240x32xf32, #tpu.memory_space<vmem_shared>>
      tpu.wait_indirect_dma semaphore(%arg14 : memref<!tpu.dma_semaphore, #tpu.memory_space<semaphore_mem>>) src(%dma_wait3A_82 : memref<10240x32xf32, #tpu.memory_space<vmem_shared>>) dst(%arg10 : memref<512x32xf32, #tpu.memory_space<vmem>>)
      %add3A_83 = arith.constant 1 : i32
      %add3A_84 = arith.addi %add3A_38, %add3A_83 : i32
      %dma_start3A_85 = arith.constant 0 : i32
      %dma_start3A_86 = tpu.memref_slice %arg8[%add3A_84, %dma_start3A_85] : memref<40x512xi32, #tpu.memory_space<vmem>> -> memref<1x512xi32, #tpu.memory_space<vmem>>
      %dma_start3A_87 = tpu.memref_squeeze %dma_start3A_86 : memref<1x512xi32, #tpu.memory_space<vmem>> -> memref<512xi32, #tpu.memory_space<vmem>>
      %dma_start3A_88 = arith.constant 0 : i32
      %dma_start3A_89 = arith.constant 0 : i32
      %dma_start3A_90 = tpu.memref_slice %arg12[%dma_start3A_88, %dma_start3A_89] : memref<10240x32xf32, #tpu.memory_space<vmem_shared>> -> memref<10240x32xf32, #tpu.memory_space<vmem_shared>>
      tpu.enqueue_indirect_dma source(%arg10 : memref<512x32xf32, #tpu.memory_space<vmem>>) target(%dma_start3A_90 : memref<10240x32xf32, #tpu.memory_space<vmem_shared>>) offsets(%dma_start3A_87 : memref<512xi32, #tpu.memory_space<vmem>>) semaphore(%arg16 : memref<!tpu.dma_semaphore, #tpu.memory_space<semaphore_mem>>) {add = true}
    }
    %scan3A_16 = arith.constant 20 : i32
    %dma_wait3A = arith.constant 40 : i32
    %dma_wait3A_17 = arith.constant 0 : i32
    %dma_wait3A_18 = tpu.memref_slice %arg7[%dma_wait3A, %dma_wait3A_17] : memref<41x512xi32, #tpu.memory_space<vmem>> -> memref<1x512xi32, #tpu.memory_space<vmem>>
    %dma_wait3A_19 = tpu.memref_squeeze %dma_wait3A_18 : memref<1x512xi32, #tpu.memory_space<vmem>> -> memref<512xi32, #tpu.memory_space<vmem>>
    %dma_wait3A_20 = arith.constant 0 : i32
    %dma_wait3A_21 = arith.constant 0 : i32
    %dma_wait3A_22 = tpu.memref_slice %arg11[%dma_wait3A_20, %dma_wait3A_21] : memref<10240x32xf32, #tpu.memory_space<vmem_shared>> -> memref<10240x32xf32, #tpu.memory_space<vmem_shared>>
    tpu.wait_indirect_dma semaphore(%arg13 : memref<!tpu.dma_semaphore, #tpu.memory_space<semaphore_mem>>) src(%dma_wait3A_22 : memref<10240x32xf32, #tpu.memory_space<vmem_shared>>) dst(%arg9 : memref<512x32xf32, #tpu.memory_space<vmem>>)
    %dma_wait3A_23 = arith.constant 39 : i32
    %dma_wait3A_24 = arith.constant 0 : i32
    %dma_wait3A_25 = tpu.memref_slice %arg8[%dma_wait3A_23, %dma_wait3A_24] : memref<40x512xi32, #tpu.memory_space<vmem>> -> memref<1x512xi32, #tpu.memory_space<vmem>>
    %dma_wait3A_26 = tpu.memref_squeeze %dma_wait3A_25 : memref<1x512xi32, #tpu.memory_space<vmem>> -> memref<512xi32, #tpu.memory_space<vmem>>
    %dma_wait3A_27 = arith.constant 0 : i32
    %dma_wait3A_28 = arith.constant 0 : i32
    %dma_wait3A_29 = tpu.memref_slice %arg12[%dma_wait3A_27, %dma_wait3A_28] : memref<10240x32xf32, #tpu.memory_space<vmem_shared>> -> memref<10240x32xf32, #tpu.memory_space<vmem_shared>>
    tpu.wait_indirect_dma semaphore(%arg16 : memref<!tpu.dma_semaphore, #tpu.memory_space<semaphore_mem>>) src(%arg10 : memref<512x32xf32, #tpu.memory_space<vmem>>) dst(%dma_wait3A_29 : memref<10240x32xf32, #tpu.memory_space<vmem_shared>>)
    %barrier3A_30 = arith.constant 0 : index
    tpu.barrier barrier_id(%barrier3A_30)
    %mul3A_31 = arith.constant 640 : i32
    %mul3A_32 = arith.muli %arg1, %mul3A_31 : i32
    %mul3A_33 = arith.constant 640 : i32
    %mul3A_34 = arith.muli %arg1, %mul3A_33 : i32
    "tpu.region"() ({
      %run_scoped3A = tpu.sem_alloc : memref<!tpu.dma_semaphore, #tpu.memory_space<semaphore_mem>>
      %dma_start3A_35 = arith.constant 0 : i32
      %dma_start3A_36 = tpu.memref_slice %arg6[%arg0, %mul3A_34, %dma_start3A_35] : memref<2x10240x32xf32, #tpu.memory_space<hbm>> -> memref<1x640x32xf32, #tpu.memory_space<hbm>>
      %dma_start3A_37 = tpu.memref_squeeze %dma_start3A_36 : memref<1x640x32xf32, #tpu.memory_space<hbm>> -> memref<640x32xf32, #tpu.memory_space<hbm>>
      %dma_start3A_38 = arith.constant 0 : i32
      %dma_start3A_39 = tpu.memref_slice %arg12[%mul3A_32, %dma_start3A_38] : memref<10240x32xf32, #tpu.memory_space<vmem_shared>> -> memref<640x32xf32, #tpu.memory_space<vmem_shared>>
      tpu.enqueue_dma source(%dma_start3A_39 : memref<640x32xf32, #tpu.memory_space<vmem_shared>>) target(%dma_start3A_37 : memref<640x32xf32, #tpu.memory_space<hbm>>) target_semaphore(%run_scoped3A : memref<!tpu.dma_semaphore, #tpu.memory_space<semaphore_mem>>)
      %dma_wait3A_40 = arith.constant 0 : i32
      %dma_wait3A_41 = tpu.memref_slice %arg6[%arg0, %mul3A_34, %dma_wait3A_40] : memref<2x10240x32xf32, #tpu.memory_space<hbm>> -> memref<1x640x32xf32, #tpu.memory_space<hbm>>
      %dma_wait3A_42 = tpu.memref_squeeze %dma_wait3A_41 : memref<1x640x32xf32, #tpu.memory_space<hbm>> -> memref<640x32xf32, #tpu.memory_space<hbm>>
      %dma_wait3A_43 = arith.constant 0 : i32
      %dma_wait3A_44 = tpu.memref_slice %arg12[%mul3A_32, %dma_wait3A_43] : memref<10240x32xf32, #tpu.memory_space<vmem_shared>> -> memref<640x32xf32, #tpu.memory_space<vmem_shared>>
      tpu.wait_dma2 semaphore(%run_scoped3A : memref<!tpu.dma_semaphore, #tpu.memory_space<semaphore_mem>>) src(%dma_wait3A_44 : memref<640x32xf32, #tpu.memory_space<vmem_shared>>) dst(%dma_wait3A_42 : memref<640x32xf32, #tpu.memory_space<hbm>>)
      tpu.yield
    }) : () -> ()
    return
  }
}

#map = affine_map<(d0, d1) -> (0, 0, 0)>
#map1 = affine_map<(d0, d1) -> (0, 0)>
module attributes {stable_mosaic.version = 14 : i64} {
  func.func @msg_kernel(%arg0: i32, %arg1: i32, %arg2: memref<2x10240x32xf32, #tpu.memory_space<hbm>>, %arg3: memref<16x41x512xi32, #tpu.memory_space<hbm>>, %arg4: memref<16x40x512xi32, #tpu.memory_space<hbm>>, %arg5: memref<10240x32xf32, #tpu.memory_space<hbm>>, %arg6: memref<2x10240x32xf32, #tpu.memory_space<hbm>>, %arg7: memref<41x512xi32, #tpu.memory_space<vmem>>, %arg8: memref<40x512xi32, #tpu.memory_space<vmem>>, %arg9: memref<512x32xf32, #tpu.memory_space<vmem>>, %arg10: memref<512x32xf32, #tpu.memory_space<vmem>>, %arg11: memref<10240x32xf32, #tpu.memory_space<vmem_shared>>, %arg12: memref<10240x32xf32, #tpu.memory_space<vmem_shared>>, %arg13: memref<!tpu.dma_semaphore, #tpu.memory_space<semaphore_mem>>, %arg14: memref<!tpu.dma_semaphore, #tpu.memory_space<semaphore_mem>>, %arg15: memref<!tpu.dma_semaphore, #tpu.memory_space<semaphore_mem>>, %arg16: memref<!tpu.dma_semaphore, #tpu.memory_space<semaphore_mem>>) attributes {dimension_semantics = [#tpu.dimension_semantics<core_parallel>, #tpu.dimension_semantics<subcore_parallel>], iteration_bounds = array<i64: 2, 16>, scalar_prefetch = 0 : i64, scratch_operands = 10 : i64, tpu.core_type = #tpu.core_type<sc_vector_subcore>, window_params = [{transform_indices = #map}, {transform_indices = #map}, {transform_indices = #map}, {transform_indices = #map1}, {transform_indices = #map}]} {
    %mul3A = arith.constant 640 : i32
    %mul3A_0 = arith.muli %arg1, %mul3A : i32
    %mul3A_1 = arith.constant 640 : i32
    %mul3A_2 = arith.muli %arg1, %mul3A_1 : i32
    "tpu.region"() ({
      %run_scoped3A = tpu.sem_alloc : memref<!tpu.dma_semaphore, #tpu.memory_space<semaphore_mem>>
      %dma_start3A_35 = arith.constant 0 : i32
      %dma_start3A_36 = tpu.memref_slice %arg11[%mul3A_2, %dma_start3A_35] : memref<10240x32xf32, #tpu.memory_space<vmem_shared>> -> memref<640x32xf32, #tpu.memory_space<vmem_shared>>
      %dma_start3A_37 = arith.constant 0 : i32
      %dma_start3A_38 = tpu.memref_slice %arg2[%arg0, %mul3A_0, %dma_start3A_37] : memref<2x10240x32xf32, #tpu.memory_space<hbm>> -> memref<1x640x32xf32, #tpu.memory_space<hbm>>
      %dma_start3A_39 = tpu.memref_squeeze %dma_start3A_38 : memref<1x640x32xf32, #tpu.memory_space<hbm>> -> memref<640x32xf32, #tpu.memory_space<hbm>>
      tpu.enqueue_dma source(%dma_start3A_39 : memref<640x32xf32, #tpu.memory_space<hbm>>) target(%dma_start3A_36 : memref<640x32xf32, #tpu.memory_space<vmem_shared>>) target_semaphore(%run_scoped3A : memref<!tpu.dma_semaphore, #tpu.memory_space<semaphore_mem>>)
      %dma_wait3A_40 = arith.constant 0 : i32
      %dma_wait3A_41 = tpu.memref_slice %arg11[%mul3A_2, %dma_wait3A_40] : memref<10240x32xf32, #tpu.memory_space<vmem_shared>> -> memref<640x32xf32, #tpu.memory_space<vmem_shared>>
      %dma_wait3A_42 = arith.constant 0 : i32
      %dma_wait3A_43 = tpu.memref_slice %arg2[%arg0, %mul3A_0, %dma_wait3A_42] : memref<2x10240x32xf32, #tpu.memory_space<hbm>> -> memref<1x640x32xf32, #tpu.memory_space<hbm>>
      %dma_wait3A_44 = tpu.memref_squeeze %dma_wait3A_43 : memref<1x640x32xf32, #tpu.memory_space<hbm>> -> memref<640x32xf32, #tpu.memory_space<hbm>>
      tpu.wait_dma2 semaphore(%run_scoped3A : memref<!tpu.dma_semaphore, #tpu.memory_space<semaphore_mem>>) src(%dma_wait3A_44 : memref<640x32xf32, #tpu.memory_space<hbm>>) dst(%dma_wait3A_41 : memref<640x32xf32, #tpu.memory_space<vmem_shared>>)
      tpu.yield
    }) : () -> ()
    %mul3A_3 = arith.constant 640 : i32
    %mul3A_4 = arith.muli %arg1, %mul3A_3 : i32
    %mul3A_5 = arith.constant 640 : i32
    %mul3A_6 = arith.muli %arg1, %mul3A_5 : i32
    "tpu.region"() ({
      %run_scoped3A = tpu.sem_alloc : memref<!tpu.dma_semaphore, #tpu.memory_space<semaphore_mem>>
      %dma_start3A_35 = arith.constant 0 : i32
      %dma_start3A_36 = tpu.memref_slice %arg12[%mul3A_6, %dma_start3A_35] : memref<10240x32xf32, #tpu.memory_space<vmem_shared>> -> memref<640x32xf32, #tpu.memory_space<vmem_shared>>
      %dma_start3A_37 = arith.constant 0 : i32
      %dma_start3A_38 = tpu.memref_slice %arg5[%mul3A_4, %dma_start3A_37] : memref<10240x32xf32, #tpu.memory_space<hbm>> -> memref<640x32xf32, #tpu.memory_space<hbm>>
      tpu.enqueue_dma source(%dma_start3A_38 : memref<640x32xf32, #tpu.memory_space<hbm>>) target(%dma_start3A_36 : memref<640x32xf32, #tpu.memory_space<vmem_shared>>) target_semaphore(%run_scoped3A : memref<!tpu.dma_semaphore, #tpu.memory_space<semaphore_mem>>)
      %dma_wait3A_39 = arith.constant 0 : i32
      %dma_wait3A_40 = tpu.memref_slice %arg12[%mul3A_6, %dma_wait3A_39] : memref<10240x32xf32, #tpu.memory_space<vmem_shared>> -> memref<640x32xf32, #tpu.memory_space<vmem_shared>>
      %dma_wait3A_41 = arith.constant 0 : i32
      %dma_wait3A_42 = tpu.memref_slice %arg5[%mul3A_4, %dma_wait3A_41] : memref<10240x32xf32, #tpu.memory_space<hbm>> -> memref<640x32xf32, #tpu.memory_space<hbm>>
      tpu.wait_dma2 semaphore(%run_scoped3A : memref<!tpu.dma_semaphore, #tpu.memory_space<semaphore_mem>>) src(%dma_wait3A_42 : memref<640x32xf32, #tpu.memory_space<hbm>>) dst(%dma_wait3A_40 : memref<640x32xf32, #tpu.memory_space<vmem_shared>>)
      tpu.yield
    }) : () -> ()
    "tpu.region"() ({
      %run_scoped3A = tpu.sem_alloc : memref<!tpu.dma_semaphore, #tpu.memory_space<semaphore_mem>>
      %dma_start3A_35 = arith.constant 0 : i32
      %dma_start3A_36 = arith.constant 0 : i32
      %dma_start3A_37 = tpu.memref_slice %arg3[%arg1, %dma_start3A_35, %dma_start3A_36] : memref<16x41x512xi32, #tpu.memory_space<hbm>> -> memref<1x41x512xi32, #tpu.memory_space<hbm>>
      %dma_start3A_38 = tpu.memref_squeeze %dma_start3A_37 : memref<1x41x512xi32, #tpu.memory_space<hbm>> -> memref<41x512xi32, #tpu.memory_space<hbm>>
      %dma_start3A_39 = arith.constant 0 : i32
      %dma_start3A_40 = arith.constant 0 : i32
      %dma_start3A_41 = tpu.memref_slice %arg3[%arg1, %dma_start3A_39, %dma_start3A_40] : memref<16x41x512xi32, #tpu.memory_space<hbm>> -> memref<1x41x512xi32, #tpu.memory_space<hbm>>
      %dma_start3A_42 = tpu.memref_squeeze %dma_start3A_41 : memref<1x41x512xi32, #tpu.memory_space<hbm>> -> memref<41x512xi32, #tpu.memory_space<hbm>>
      tpu.enqueue_dma source(%dma_start3A_42 : memref<41x512xi32, #tpu.memory_space<hbm>>) target(%arg7 : memref<41x512xi32, #tpu.memory_space<vmem>>) target_semaphore(%run_scoped3A : memref<!tpu.dma_semaphore, #tpu.memory_space<semaphore_mem>>)
      %dma_wait3A_43 = arith.constant 0 : i32
      %dma_wait3A_44 = arith.constant 0 : i32
      %dma_wait3A_45 = tpu.memref_slice %arg3[%arg1, %dma_wait3A_43, %dma_wait3A_44] : memref<16x41x512xi32, #tpu.memory_space<hbm>> -> memref<1x41x512xi32, #tpu.memory_space<hbm>>
      %dma_wait3A_46 = tpu.memref_squeeze %dma_wait3A_45 : memref<1x41x512xi32, #tpu.memory_space<hbm>> -> memref<41x512xi32, #tpu.memory_space<hbm>>
      %dma_wait3A_47 = arith.constant 0 : i32
      %dma_wait3A_48 = arith.constant 0 : i32
      %dma_wait3A_49 = tpu.memref_slice %arg3[%arg1, %dma_wait3A_47, %dma_wait3A_48] : memref<16x41x512xi32, #tpu.memory_space<hbm>> -> memref<1x41x512xi32, #tpu.memory_space<hbm>>
      %dma_wait3A_50 = tpu.memref_squeeze %dma_wait3A_49 : memref<1x41x512xi32, #tpu.memory_space<hbm>> -> memref<41x512xi32, #tpu.memory_space<hbm>>
      tpu.wait_dma2 semaphore(%run_scoped3A : memref<!tpu.dma_semaphore, #tpu.memory_space<semaphore_mem>>) src(%dma_wait3A_50 : memref<41x512xi32, #tpu.memory_space<hbm>>) dst(%arg7 : memref<41x512xi32, #tpu.memory_space<vmem>>)
      tpu.yield
    }) : () -> ()
    "tpu.region"() ({
      %run_scoped3A = tpu.sem_alloc : memref<!tpu.dma_semaphore, #tpu.memory_space<semaphore_mem>>
      %dma_start3A_35 = arith.constant 0 : i32
      %dma_start3A_36 = arith.constant 0 : i32
      %dma_start3A_37 = tpu.memref_slice %arg4[%arg1, %dma_start3A_35, %dma_start3A_36] : memref<16x40x512xi32, #tpu.memory_space<hbm>> -> memref<1x40x512xi32, #tpu.memory_space<hbm>>
      %dma_start3A_38 = tpu.memref_squeeze %dma_start3A_37 : memref<1x40x512xi32, #tpu.memory_space<hbm>> -> memref<40x512xi32, #tpu.memory_space<hbm>>
      %dma_start3A_39 = arith.constant 0 : i32
      %dma_start3A_40 = arith.constant 0 : i32
      %dma_start3A_41 = tpu.memref_slice %arg4[%arg1, %dma_start3A_39, %dma_start3A_40] : memref<16x40x512xi32, #tpu.memory_space<hbm>> -> memref<1x40x512xi32, #tpu.memory_space<hbm>>
      %dma_start3A_42 = tpu.memref_squeeze %dma_start3A_41 : memref<1x40x512xi32, #tpu.memory_space<hbm>> -> memref<40x512xi32, #tpu.memory_space<hbm>>
      tpu.enqueue_dma source(%dma_start3A_42 : memref<40x512xi32, #tpu.memory_space<hbm>>) target(%arg8 : memref<40x512xi32, #tpu.memory_space<vmem>>) target_semaphore(%run_scoped3A : memref<!tpu.dma_semaphore, #tpu.memory_space<semaphore_mem>>)
      %dma_wait3A_43 = arith.constant 0 : i32
      %dma_wait3A_44 = arith.constant 0 : i32
      %dma_wait3A_45 = tpu.memref_slice %arg4[%arg1, %dma_wait3A_43, %dma_wait3A_44] : memref<16x40x512xi32, #tpu.memory_space<hbm>> -> memref<1x40x512xi32, #tpu.memory_space<hbm>>
      %dma_wait3A_46 = tpu.memref_squeeze %dma_wait3A_45 : memref<1x40x512xi32, #tpu.memory_space<hbm>> -> memref<40x512xi32, #tpu.memory_space<hbm>>
      %dma_wait3A_47 = arith.constant 0 : i32
      %dma_wait3A_48 = arith.constant 0 : i32
      %dma_wait3A_49 = tpu.memref_slice %arg4[%arg1, %dma_wait3A_47, %dma_wait3A_48] : memref<16x40x512xi32, #tpu.memory_space<hbm>> -> memref<1x40x512xi32, #tpu.memory_space<hbm>>
      %dma_wait3A_50 = tpu.memref_squeeze %dma_wait3A_49 : memref<1x40x512xi32, #tpu.memory_space<hbm>> -> memref<40x512xi32, #tpu.memory_space<hbm>>
      tpu.wait_dma2 semaphore(%run_scoped3A : memref<!tpu.dma_semaphore, #tpu.memory_space<semaphore_mem>>) src(%dma_wait3A_50 : memref<40x512xi32, #tpu.memory_space<hbm>>) dst(%arg8 : memref<40x512xi32, #tpu.memory_space<vmem>>)
      tpu.yield
    }) : () -> ()
    %barrier3A = arith.constant 0 : index
    tpu.barrier barrier_id(%barrier3A)
    %dma_start3A = arith.constant 0 : i32
    %dma_start3A_7 = arith.constant 0 : i32
    %dma_start3A_8 = tpu.memref_slice %arg7[%dma_start3A, %dma_start3A_7] : memref<41x512xi32, #tpu.memory_space<vmem>> -> memref<1x512xi32, #tpu.memory_space<vmem>>
    %dma_start3A_9 = tpu.memref_squeeze %dma_start3A_8 : memref<1x512xi32, #tpu.memory_space<vmem>> -> memref<512xi32, #tpu.memory_space<vmem>>
    %dma_start3A_10 = arith.constant 0 : i32
    %dma_start3A_11 = arith.constant 0 : i32
    %dma_start3A_12 = tpu.memref_slice %arg11[%dma_start3A_10, %dma_start3A_11] : memref<10240x32xf32, #tpu.memory_space<vmem_shared>> -> memref<10240x32xf32, #tpu.memory_space<vmem_shared>>
    tpu.enqueue_indirect_dma source(%dma_start3A_12 : memref<10240x32xf32, #tpu.memory_space<vmem_shared>>) target(%arg9 : memref<512x32xf32, #tpu.memory_space<vmem>>) offsets(%dma_start3A_9 : memref<512xi32, #tpu.memory_space<vmem>>) semaphore(%arg13 : memref<!tpu.dma_semaphore, #tpu.memory_space<semaphore_mem>>)
    %scan3A = arith.constant 0 : i32
    %scan3A_13 = arith.constant 20 : i32
    %scan3A_14 = arith.addi %scan3A, %scan3A_13 : i32
    %scan3A_15 = arith.constant 1 : i32
    scf.for %scan3A_35 = %scan3A to %scan3A_14 step %scan3A_15  : i32 {
      %mul3A_36 = arith.constant 2 : i32
      %mul3A_37 = arith.muli %scan3A_35, %mul3A_36 : i32
      %add3A = arith.constant 0 : i32
      %add3A_38 = arith.addi %add3A, %mul3A_37 : i32
      %gt3A = arith.constant 0 : i32
      %gt3A_39 = arith.cmpi sgt, %add3A_38, %gt3A : i32
      %convert_element_type3A = arith.extui %gt3A_39 : i1 to i32
      %cond3A = arith.constant 0 : i32
      %cond3A_40 = arith.cmpi ne, %convert_element_type3A, %cond3A : i32
      scf.if %cond3A_40 {
        %sub3A = arith.constant 1 : i32
        %sub3A_91 = arith.subi %add3A_38, %sub3A : i32
        %dma_wait3A_92 = arith.constant 0 : i32
        %dma_wait3A_93 = tpu.memref_slice %arg8[%sub3A_91, %dma_wait3A_92] : memref<40x512xi32, #tpu.memory_space<vmem>> -> memref<1x512xi32, #tpu.memory_space<vmem>>
        %dma_wait3A_94 = tpu.memref_squeeze %dma_wait3A_93 : memref<1x512xi32, #tpu.memory_space<vmem>> -> memref<512xi32, #tpu.memory_space<vmem>>
        %dma_wait3A_95 = arith.constant 0 : i32
        %dma_wait3A_96 = arith.constant 0 : i32
        %dma_wait3A_97 = tpu.memref_slice %arg12[%dma_wait3A_95, %dma_wait3A_96] : memref<10240x32xf32, #tpu.memory_space<vmem_shared>> -> memref<10240x32xf32, #tpu.memory_space<vmem_shared>>
        tpu.wait_indirect_dma semaphore(%arg16 : memref<!tpu.dma_semaphore, #tpu.memory_space<semaphore_mem>>) src(%arg10 : memref<512x32xf32, #tpu.memory_space<vmem>>) dst(%dma_wait3A_97 : memref<10240x32xf32, #tpu.memory_space<vmem_shared>>)
      } else {
      }
      %add3A_41 = arith.constant 1 : i32
      %add3A_42 = arith.addi %add3A_38, %add3A_41 : i32
      %dma_start3A_43 = arith.constant 0 : i32
      %dma_start3A_44 = tpu.memref_slice %arg7[%add3A_42, %dma_start3A_43] : memref<41x512xi32, #tpu.memory_space<vmem>> -> memref<1x512xi32, #tpu.memory_space<vmem>>
      %dma_start3A_45 = tpu.memref_squeeze %dma_start3A_44 : memref<1x512xi32, #tpu.memory_space<vmem>> -> memref<512xi32, #tpu.memory_space<vmem>>
      %dma_start3A_46 = arith.constant 0 : i32
      %dma_start3A_47 = arith.constant 0 : i32
      %dma_start3A_48 = tpu.memref_slice %arg11[%dma_start3A_46, %dma_start3A_47] : memref<10240x32xf32, #tpu.memory_space<vmem_shared>> -> memref<10240x32xf32, #tpu.memory_space<vmem_shared>>
      tpu.enqueue_indirect_dma source(%dma_start3A_48 : memref<10240x32xf32, #tpu.memory_space<vmem_shared>>) target(%arg10 : memref<512x32xf32, #tpu.memory_space<vmem>>) offsets(%dma_start3A_45 : memref<512xi32, #tpu.memory_space<vmem>>) semaphore(%arg14 : memref<!tpu.dma_semaphore, #tpu.memory_space<semaphore_mem>>)
      %dma_wait3A_49 = arith.constant 0 : i32
      %dma_wait3A_50 = tpu.memref_slice %arg7[%add3A_38, %dma_wait3A_49] : memref<41x512xi32, #tpu.memory_space<vmem>> -> memref<1x512xi32, #tpu.memory_space<vmem>>
      %dma_wait3A_51 = tpu.memref_squeeze %dma_wait3A_50 : memref<1x512xi32, #tpu.memory_space<vmem>> -> memref<512xi32, #tpu.memory_space<vmem>>
      %dma_wait3A_52 = arith.constant 0 : i32
      %dma_wait3A_53 = arith.constant 0 : i32
      %dma_wait3A_54 = tpu.memref_slice %arg11[%dma_wait3A_52, %dma_wait3A_53] : memref<10240x32xf32, #tpu.memory_space<vmem_shared>> -> memref<10240x32xf32, #tpu.memory_space<vmem_shared>>
      tpu.wait_indirect_dma semaphore(%arg13 : memref<!tpu.dma_semaphore, #tpu.memory_space<semaphore_mem>>) src(%dma_wait3A_54 : memref<10240x32xf32, #tpu.memory_space<vmem_shared>>) dst(%arg9 : memref<512x32xf32, #tpu.memory_space<vmem>>)
      %dma_start3A_55 = arith.constant 0 : i32
      %dma_start3A_56 = tpu.memref_slice %arg8[%add3A_38, %dma_start3A_55] : memref<40x512xi32, #tpu.memory_space<vmem>> -> memref<1x512xi32, #tpu.memory_space<vmem>>
      %dma_start3A_57 = tpu.memref_squeeze %dma_start3A_56 : memref<1x512xi32, #tpu.memory_space<vmem>> -> memref<512xi32, #tpu.memory_space<vmem>>
      %dma_start3A_58 = arith.constant 0 : i32
      %dma_start3A_59 = arith.constant 0 : i32
      %dma_start3A_60 = tpu.memref_slice %arg12[%dma_start3A_58, %dma_start3A_59] : memref<10240x32xf32, #tpu.memory_space<vmem_shared>> -> memref<10240x32xf32, #tpu.memory_space<vmem_shared>>
      tpu.enqueue_indirect_dma source(%arg9 : memref<512x32xf32, #tpu.memory_space<vmem>>) target(%dma_start3A_60 : memref<10240x32xf32, #tpu.memory_space<vmem_shared>>) offsets(%dma_start3A_57 : memref<512xi32, #tpu.memory_space<vmem>>) semaphore(%arg15 : memref<!tpu.dma_semaphore, #tpu.memory_space<semaphore_mem>>) {add = true}
      %dma_wait3A_61 = arith.constant 0 : i32
      %dma_wait3A_62 = tpu.memref_slice %arg8[%add3A_38, %dma_wait3A_61] : memref<40x512xi32, #tpu.memory_space<vmem>> -> memref<1x512xi32, #tpu.memory_space<vmem>>
      %dma_wait3A_63 = tpu.memref_squeeze %dma_wait3A_62 : memref<1x512xi32, #tpu.memory_space<vmem>> -> memref<512xi32, #tpu.memory_space<vmem>>
      %dma_wait3A_64 = arith.constant 0 : i32
      %dma_wait3A_65 = arith.constant 0 : i32
      %dma_wait3A_66 = tpu.memref_slice %arg12[%dma_wait3A_64, %dma_wait3A_65] : memref<10240x32xf32, #tpu.memory_space<vmem_shared>> -> memref<10240x32xf32, #tpu.memory_space<vmem_shared>>
      tpu.wait_indirect_dma semaphore(%arg15 : memref<!tpu.dma_semaphore, #tpu.memory_space<semaphore_mem>>) src(%arg9 : memref<512x32xf32, #tpu.memory_space<vmem>>) dst(%dma_wait3A_66 : memref<10240x32xf32, #tpu.memory_space<vmem_shared>>)
      %add3A_67 = arith.constant 2 : i32
      %add3A_68 = arith.addi %add3A_38, %add3A_67 : i32
      %dma_start3A_69 = arith.constant 0 : i32
      %dma_start3A_70 = tpu.memref_slice %arg7[%add3A_68, %dma_start3A_69] : memref<41x512xi32, #tpu.memory_space<vmem>> -> memref<1x512xi32, #tpu.memory_space<vmem>>
      %dma_start3A_71 = tpu.memref_squeeze %dma_start3A_70 : memref<1x512xi32, #tpu.memory_space<vmem>> -> memref<512xi32, #tpu.memory_space<vmem>>
      %dma_start3A_72 = arith.constant 0 : i32
      %dma_start3A_73 = arith.constant 0 : i32
      %dma_start3A_74 = tpu.memref_slice %arg11[%dma_start3A_72, %dma_start3A_73] : memref<10240x32xf32, #tpu.memory_space<vmem_shared>> -> memref<10240x32xf32, #tpu.memory_space<vmem_shared>>
      tpu.enqueue_indirect_dma source(%dma_start3A_74 : memref<10240x32xf32, #tpu.memory_space<vmem_shared>>) target(%arg9 : memref<512x32xf32, #tpu.memory_space<vmem>>) offsets(%dma_start3A_71 : memref<512xi32, #tpu.memory_space<vmem>>) semaphore(%arg13 : memref<!tpu.dma_semaphore, #tpu.memory_space<semaphore_mem>>)
      %add3A_75 = arith.constant 1 : i32
      %add3A_76 = arith.addi %add3A_38, %add3A_75 : i32
      %dma_wait3A_77 = arith.constant 0 : i32
      %dma_wait3A_78 = tpu.memref_slice %arg7[%add3A_76, %dma_wait3A_77] : memref<41x512xi32, #tpu.memory_space<vmem>> -> memref<1x512xi32, #tpu.memory_space<vmem>>
      %dma_wait3A_79 = tpu.memref_squeeze %dma_wait3A_78 : memref<1x512xi32, #tpu.memory_space<vmem>> -> memref<512xi32, #tpu.memory_space<vmem>>
      %dma_wait3A_80 = arith.constant 0 : i32
      %dma_wait3A_81 = arith.constant 0 : i32
      %dma_wait3A_82 = tpu.memref_slice %arg11[%dma_wait3A_80, %dma_wait3A_81] : memref<10240x32xf32, #tpu.memory_space<vmem_shared>> -> memref<10240x32xf32, #tpu.memory_space<vmem_shared>>
      tpu.wait_indirect_dma semaphore(%arg14 : memref<!tpu.dma_semaphore, #tpu.memory_space<semaphore_mem>>) src(%dma_wait3A_82 : memref<10240x32xf32, #tpu.memory_space<vmem_shared>>) dst(%arg10 : memref<512x32xf32, #tpu.memory_space<vmem>>)
      %add3A_83 = arith.constant 1 : i32
      %add3A_84 = arith.addi %add3A_38, %add3A_83 : i32
      %dma_start3A_85 = arith.constant 0 : i32
      %dma_start3A_86 = tpu.memref_slice %arg8[%add3A_84, %dma_start3A_85] : memref<40x512xi32, #tpu.memory_space<vmem>> -> memref<1x512xi32, #tpu.memory_space<vmem>>
      %dma_start3A_87 = tpu.memref_squeeze %dma_start3A_86 : memref<1x512xi32, #tpu.memory_space<vmem>> -> memref<512xi32, #tpu.memory_space<vmem>>
      %dma_start3A_88 = arith.constant 0 : i32
      %dma_start3A_89 = arith.constant 0 : i32
      %dma_start3A_90 = tpu.memref_slice %arg12[%dma_start3A_88, %dma_start3A_89] : memref<10240x32xf32, #tpu.memory_space<vmem_shared>> -> memref<10240x32xf32, #tpu.memory_space<vmem_shared>>
      tpu.enqueue_indirect_dma source(%arg10 : memref<512x32xf32, #tpu.memory_space<vmem>>) target(%dma_start3A_90 : memref<10240x32xf32, #tpu.memory_space<vmem_shared>>) offsets(%dma_start3A_87 : memref<512xi32, #tpu.memory_space<vmem>>) semaphore(%arg16 : memref<!tpu.dma_semaphore, #tpu.memory_space<semaphore_mem>>) {add = true}
    }
    %scan3A_16 = arith.constant 20 : i32
    %dma_wait3A = arith.constant 40 : i32
    %dma_wait3A_17 = arith.constant 0 : i32
    %dma_wait3A_18 = tpu.memref_slice %arg7[%dma_wait3A, %dma_wait3A_17] : memref<41x512xi32, #tpu.memory_space<vmem>> -> memref<1x512xi32, #tpu.memory_space<vmem>>
    %dma_wait3A_19 = tpu.memref_squeeze %dma_wait3A_18 : memref<1x512xi32, #tpu.memory_space<vmem>> -> memref<512xi32, #tpu.memory_space<vmem>>
    %dma_wait3A_20 = arith.constant 0 : i32
    %dma_wait3A_21 = arith.constant 0 : i32
    %dma_wait3A_22 = tpu.memref_slice %arg11[%dma_wait3A_20, %dma_wait3A_21] : memref<10240x32xf32, #tpu.memory_space<vmem_shared>> -> memref<10240x32xf32, #tpu.memory_space<vmem_shared>>
    tpu.wait_indirect_dma semaphore(%arg13 : memref<!tpu.dma_semaphore, #tpu.memory_space<semaphore_mem>>) src(%dma_wait3A_22 : memref<10240x32xf32, #tpu.memory_space<vmem_shared>>) dst(%arg9 : memref<512x32xf32, #tpu.memory_space<vmem>>)
    %dma_wait3A_23 = arith.constant 39 : i32
    %dma_wait3A_24 = arith.constant 0 : i32
    %dma_wait3A_25 = tpu.memref_slice %arg8[%dma_wait3A_23, %dma_wait3A_24] : memref<40x512xi32, #tpu.memory_space<vmem>> -> memref<1x512xi32, #tpu.memory_space<vmem>>
    %dma_wait3A_26 = tpu.memref_squeeze %dma_wait3A_25 : memref<1x512xi32, #tpu.memory_space<vmem>> -> memref<512xi32, #tpu.memory_space<vmem>>
    %dma_wait3A_27 = arith.constant 0 : i32
    %dma_wait3A_28 = arith.constant 0 : i32
    %dma_wait3A_29 = tpu.memref_slice %arg12[%dma_wait3A_27, %dma_wait3A_28] : memref<10240x32xf32, #tpu.memory_space<vmem_shared>> -> memref<10240x32xf32, #tpu.memory_space<vmem_shared>>
    tpu.wait_indirect_dma semaphore(%arg16 : memref<!tpu.dma_semaphore, #tpu.memory_space<semaphore_mem>>) src(%arg10 : memref<512x32xf32, #tpu.memory_space<vmem>>) dst(%dma_wait3A_29 : memref<10240x32xf32, #tpu.memory_space<vmem_shared>>)
    %barrier3A_30 = arith.constant 0 : index
    tpu.barrier barrier_id(%barrier3A_30)
    %mul3A_31 = arith.constant 640 : i32
    %mul3A_32 = arith.muli %arg1, %mul3A_31 : i32
    %mul3A_33 = arith.constant 640 : i32
    %mul3A_34 = arith.muli %arg1, %mul3A_33 : i32
    "tpu.region"() ({
      %run_scoped3A = tpu.sem_alloc : memref<!tpu.dma_semaphore, #tpu.memory_space<semaphore_mem>>
      %dma_start3A_35 = arith.constant 0 : i32
      %dma_start3A_36 = tpu.memref_slice %arg6[%arg0, %mul3A_34, %dma_start3A_35] : memref<2x10240x32xf32, #tpu.memory_space<hbm>> -> memref<1x640x32xf32, #tpu.memory_space<hbm>>
      %dma_start3A_37 = tpu.memref_squeeze %dma_start3A_36 : memref<1x640x32xf32, #tpu.memory_space<hbm>> -> memref<640x32xf32, #tpu.memory_space<hbm>>
      %dma_start3A_38 = arith.constant 0 : i32
      %dma_start3A_39 = tpu.memref_slice %arg12[%mul3A_32, %dma_start3A_38] : memref<10240x32xf32, #tpu.memory_space<vmem_shared>> -> memref<640x32xf32, #tpu.memory_space<vmem_shared>>
      tpu.enqueue_dma source(%dma_start3A_39 : memref<640x32xf32, #tpu.memory_space<vmem_shared>>) target(%dma_start3A_37 : memref<640x32xf32, #tpu.memory_space<hbm>>) target_semaphore(%run_scoped3A : memref<!tpu.dma_semaphore, #tpu.memory_space<semaphore_mem>>)
      %dma_wait3A_40 = arith.constant 0 : i32
      %dma_wait3A_41 = tpu.memref_slice %arg6[%arg0, %mul3A_34, %dma_wait3A_40] : memref<2x10240x32xf32, #tpu.memory_space<hbm>> -> memref<1x640x32xf32, #tpu.memory_space<hbm>>
      %dma_wait3A_42 = tpu.memref_squeeze %dma_wait3A_41 : memref<1x640x32xf32, #tpu.memory_space<hbm>> -> memref<640x32xf32, #tpu.memory_space<hbm>>
      %dma_wait3A_43 = arith.constant 0 : i32
      %dma_wait3A_44 = tpu.memref_slice %arg12[%mul3A_32, %dma_wait3A_43] : memref<10240x32xf32, #tpu.memory_space<vmem_shared>> -> memref<640x32xf32, #tpu.memory_space<vmem_shared>>
      tpu.wait_dma2 semaphore(%run_scoped3A : memref<!tpu.dma_semaphore, #tpu.memory_space<semaphore_mem>>) src(%dma_wait3A_44 : memref<640x32xf32, #tpu.memory_space<vmem_shared>>) dst(%dma_wait3A_42 : memref<640x32xf32, #tpu.memory_space<hbm>>)
      tpu.yield
    }) : () -> ()
    return
  }
}

module attributes {stable_mosaic.version = 14 : i64} {
  func.func @body(%arg0: i32, %arg1: memref<2048x128xf32, #tpu.memory_space<vmem>>, %arg2: memref<128x64xf32, #tpu.memory_space<vmem>>, %arg3: memref<2x2048x8xf32, #tpu.memory_space<vmem>>, %arg4: memref<2x2048x32xf32, #tpu.memory_space<vmem>>, %arg5: memref<2048x1xf32, #tpu.memory_space<vmem>>) attributes {dimension_semantics = [#tpu.dimension_semantics<arbitrary>], iteration_bounds = array<i64: 5>, scalar_prefetch = 0 : i64, scratch_operands = 0 : i64, tpu.core_type = #tpu.core_type<tc>, window_params = [{transform_indices = @transform_0, window_bounds = array<i64: 2048, 128>}, {pipeline_mode = #tpu.pipeline_mode<synchronous>, transform_indices = @transform_1, window_bounds = array<i64: 128, 64>}, {transform_indices = @transform_2, window_bounds = array<i64: 2, 2048, 8>}, {transform_indices = @transform_3, window_bounds = array<i64: 2, 2048, 32>}, {transform_indices = @transform_4, window_bounds = array<i64: 2048, 1>}]} {
    %get3A = arith.constant 0 : index
    %get3A_0 = arith.constant 0 : index
    %get3A_1 = arith.constant 0 : index
    %get3A_2 = vector.load %arg3[%get3A, %get3A_0, %get3A_1] : memref<2x2048x8xf32, #tpu.memory_space<vmem>>, vector<1x2048x1xf32>
    %get3A_3 = vector.shape_cast %get3A_2 : vector<1x2048x1xf32> to vector<2048x1xf32>
    %get3A_4 = arith.constant 1 : index
    %get3A_5 = arith.constant 0 : index
    %get3A_6 = arith.constant 0 : index
    %get3A_7 = vector.load %arg3[%get3A_4, %get3A_5, %get3A_6] : memref<2x2048x8xf32, #tpu.memory_space<vmem>>, vector<1x2048x1xf32>
    %get3A_8 = vector.shape_cast %get3A_7 : vector<1x2048x1xf32> to vector<2048x1xf32>
    %add3A = arith.addf %get3A_3, %get3A_8 : vector<2048x1xf32>
    %add3A_9 = arith.constant 1.000000e+00 : f32
    %add3A_10 = vector.broadcast %add3A_9 : f32 to vector<2048x1xf32>
    %add3A_11 = arith.addf %add3A, %add3A_10 : vector<2048x1xf32>
    %rsqrt3A = math.rsqrt %add3A_11 : vector<2048x1xf32>
    %get3A_12 = arith.constant 0 : index
    %get3A_13 = arith.constant 0 : index
    %get3A_14 = vector.load %arg1[%get3A_12, %get3A_13] : memref<2048x128xf32, #tpu.memory_space<vmem>>, vector<2048x128xf32>
    %get3A_15 = arith.constant 0 : index
    %get3A_16 = arith.constant 0 : index
    %get3A_17 = vector.load %arg2[%get3A_15, %get3A_16] : memref<128x64xf32, #tpu.memory_space<vmem>>, vector<128x64xf32>
    %dot_general3A = arith.constant dense<0.000000e+00> : vector<2048x64xf32>
    %dot_general3A_18 = tpu.matmul %get3A_14, %get3A_17, %dot_general3A {dimension_numbers = #tpu.dot_dimension_numbers<[1], [0], [0], [1], [0, 0, 1, 1], [], []>, transpose_lhs_hint = false} : vector<2048x128xf32>, vector<128x64xf32>, vector<2048x64xf32> -> vector<2048x64xf32>
    %mul3A = vector.broadcast %rsqrt3A : vector<2048x1xf32> to vector<2048x64xf32>
    %mul3A_19 = arith.mulf %dot_general3A_18, %mul3A : vector<2048x64xf32>
    %slice3A = vector.extract_strided_slice %mul3A_19 {offsets = [0, 0], sizes = [2048, 32], strides = [1, 1]} : vector<2048x64xf32> to vector<2048x32xf32>
    %swap3A = arith.constant 0 : index
    %swap3A_20 = arith.constant 0 : index
    %swap3A_21 = arith.constant 0 : index
    %swap3A_22 = vector.load %arg4[%swap3A, %swap3A_20, %swap3A_21] : memref<2x2048x32xf32, #tpu.memory_space<vmem>>, vector<1x2048x32xf32>
    %swap3A_23 = vector.shape_cast %swap3A_22 : vector<1x2048x32xf32> to vector<2048x32xf32>
    %swap3A_24 = vector.shape_cast %slice3A : vector<2048x32xf32> to vector<1x2048x32xf32>
    tpu.vector_store %arg4[%swap3A, %swap3A_20, %swap3A_21], %swap3A_24 {strides = array<i32>} : memref<2x2048x32xf32, #tpu.memory_space<vmem>>, vector<1x2048x32xf32>,
    %slice3A_25 = vector.extract_strided_slice %mul3A_19 {offsets = [0, 32], sizes = [2048, 32], strides = [1, 1]} : vector<2048x64xf32> to vector<2048x32xf32>
    %swap3A_26 = arith.constant 1 : index
    %swap3A_27 = arith.constant 0 : index
    %swap3A_28 = arith.constant 0 : index
    %swap3A_29 = vector.load %arg4[%swap3A_26, %swap3A_27, %swap3A_28] : memref<2x2048x32xf32, #tpu.memory_space<vmem>>, vector<1x2048x32xf32>
    %swap3A_30 = vector.shape_cast %swap3A_29 : vector<1x2048x32xf32> to vector<2048x32xf32>
    %swap3A_31 = vector.shape_cast %slice3A_25 : vector<2048x32xf32> to vector<1x2048x32xf32>
    tpu.vector_store %arg4[%swap3A_26, %swap3A_27, %swap3A_28], %swap3A_31 {strides = array<i32>} : memref<2x2048x32xf32, #tpu.memory_space<vmem>>, vector<1x2048x32xf32>,
    %swap3A_32 = arith.constant 0 : index
    %swap3A_33 = arith.constant 0 : index
    %swap3A_34 = vector.load %arg5[%swap3A_32, %swap3A_33] : memref<2048x1xf32, #tpu.memory_space<vmem>>, vector<2048x1xf32>
    tpu.vector_store %arg5[%swap3A_32, %swap3A_33], %rsqrt3A {strides = array<i32>} : memref<2048x1xf32, #tpu.memory_space<vmem>>, vector<2048x1xf32>,
    return
  }
  func.func @transform_0(%arg0: i32) -> (i32, i32) {
    %c0_i32 = arith.constant 0 : i32
    %c0_i32_0 = arith.constant 0 : i32
    return %arg0, %c0_i32 : i32, i32
  }
  func.func @transform_1(%arg0: i32) -> (i32, i32) {
    %c0_i32 = arith.constant 0 : i32
    %c0_i32_0 = arith.constant 0 : i32
    %c0_i32_1 = arith.constant 0 : i32
    return %c0_i32, %c0_i32_0 : i32, i32
  }
  func.func @transform_2(%arg0: i32) -> (i32, i32, i32) {
    %c0_i32 = arith.constant 0 : i32
    %c0_i32_0 = arith.constant 0 : i32
    %c0_i32_1 = arith.constant 0 : i32
    return %c0_i32, %arg0, %c0_i32_0 : i32, i32, i32
  }
  func.func @transform_3(%arg0: i32) -> (i32, i32, i32) {
    %c0_i32 = arith.constant 0 : i32
    %c0_i32_0 = arith.constant 0 : i32
    %c0_i32_1 = arith.constant 0 : i32
    return %c0_i32, %arg0, %c0_i32_0 : i32, i32, i32
  }
  func.func @transform_4(%arg0: i32) -> (i32, i32) {
    %c0_i32 = arith.constant 0 : i32
    %c0_i32_0 = arith.constant 0 : i32
    return %arg0, %c0_i32 : i32, i32
  }
}

module attributes {stable_mosaic.version = 14 : i64} {
  func.func @body(%arg0: i32, %arg1: memref<2x2048x32xf32, #tpu.memory_space<vmem>>, %arg2: memref<2x2048x32xf32, #tpu.memory_space<vmem>>, %arg3: memref<2048x1xf32, #tpu.memory_space<vmem>>, %arg4: memref<1x64xf32, #tpu.memory_space<vmem>>, %arg5: memref<64x64xf32, #tpu.memory_space<vmem>>, %arg6: memref<2x2048x32xf32, #tpu.memory_space<vmem>>) attributes {dimension_semantics = [#tpu.dimension_semantics<arbitrary>], iteration_bounds = array<i64: 5>, scalar_prefetch = 0 : i64, scratch_operands = 0 : i64, tpu.core_type = #tpu.core_type<tc>, window_params = [{transform_indices = @transform_0, window_bounds = array<i64: 2, 2048, 32>}, {transform_indices = @transform_1, window_bounds = array<i64: 2, 2048, 32>}, {transform_indices = @transform_2, window_bounds = array<i64: 2048, 1>}, {pipeline_mode = #tpu.pipeline_mode<synchronous>, transform_indices = @transform_3, window_bounds = array<i64: 1, 64>}, {pipeline_mode = #tpu.pipeline_mode<synchronous>, transform_indices = @transform_4, window_bounds = array<i64: 64, 64>}, {transform_indices = @transform_5, window_bounds = array<i64: 2, 2048, 32>}]} {
    %get3A = arith.constant 0 : index
    %get3A_0 = arith.constant 0 : index
    %get3A_1 = arith.constant 0 : index
    %get3A_2 = vector.load %arg1[%get3A, %get3A_0, %get3A_1] : memref<2x2048x32xf32, #tpu.memory_space<vmem>>, vector<1x2048x32xf32>
    %get3A_3 = vector.shape_cast %get3A_2 : vector<1x2048x32xf32> to vector<2048x32xf32>
    %get3A_4 = arith.constant 0 : index
    %get3A_5 = arith.constant 0 : index
    %get3A_6 = arith.constant 0 : index
    %get3A_7 = vector.load %arg2[%get3A_4, %get3A_5, %get3A_6] : memref<2x2048x32xf32, #tpu.memory_space<vmem>>, vector<1x2048x32xf32>
    %get3A_8 = vector.shape_cast %get3A_7 : vector<1x2048x32xf32> to vector<2048x32xf32>
    %add3A = arith.addf %get3A_3, %get3A_8 : vector<2048x32xf32>
    %get3A_9 = arith.constant 1 : index
    %get3A_10 = arith.constant 0 : index
    %get3A_11 = arith.constant 0 : index
    %get3A_12 = vector.load %arg1[%get3A_9, %get3A_10, %get3A_11] : memref<2x2048x32xf32, #tpu.memory_space<vmem>>, vector<1x2048x32xf32>
    %get3A_13 = vector.shape_cast %get3A_12 : vector<1x2048x32xf32> to vector<2048x32xf32>
    %get3A_14 = arith.constant 1 : index
    %get3A_15 = arith.constant 0 : index
    %get3A_16 = arith.constant 0 : index
    %get3A_17 = vector.load %arg2[%get3A_14, %get3A_15, %get3A_16] : memref<2x2048x32xf32, #tpu.memory_space<vmem>>, vector<1x2048x32xf32>
    %get3A_18 = vector.shape_cast %get3A_17 : vector<1x2048x32xf32> to vector<2048x32xf32>
    %add3A_19 = arith.addf %get3A_13, %get3A_18 : vector<2048x32xf32>
    %concatenate3A = tpu.concatenate %add3A, %add3A_19 in 1 : vector<2048x32xf32>, vector<2048x32xf32> -> vector<2048x64xf32>
    %get3A_20 = arith.constant 0 : index
    %get3A_21 = arith.constant 0 : index
    %get3A_22 = vector.load %arg3[%get3A_20, %get3A_21] : memref<2048x1xf32, #tpu.memory_space<vmem>>, vector<2048x1xf32>
    %mul3A = vector.broadcast %get3A_22 : vector<2048x1xf32> to vector<2048x64xf32>
    %mul3A_23 = arith.mulf %concatenate3A, %mul3A : vector<2048x64xf32>
    %get3A_24 = arith.constant 0 : index
    %get3A_25 = arith.constant 0 : index
    %get3A_26 = vector.load %arg4[%get3A_24, %get3A_25] : memref<1x64xf32, #tpu.memory_space<vmem>>, vector<1x64xf32>
    %add3A_27 = vector.broadcast %get3A_26 : vector<1x64xf32> to vector<2048x64xf32>
    %add3A_28 = arith.addf %mul3A_23, %add3A_27 : vector<2048x64xf32>
    %max3A = arith.constant 0.000000e+00 : f32
    %max3A_29 = vector.broadcast %max3A : f32 to vector<2048x64xf32>
    %max3A_30 = arith.maximumf %add3A_28, %max3A_29 : vector<2048x64xf32>
    %get3A_31 = arith.constant 0 : index
    %get3A_32 = arith.constant 0 : index
    %get3A_33 = vector.load %arg5[%get3A_31, %get3A_32] : memref<64x64xf32, #tpu.memory_space<vmem>>, vector<64x64xf32>
    %dot_general3A = arith.constant dense<0.000000e+00> : vector<2048x64xf32>
    %dot_general3A_34 = tpu.matmul %max3A_30, %get3A_33, %dot_general3A {dimension_numbers = #tpu.dot_dimension_numbers<[1], [0], [0], [1], [0, 0, 1, 1], [], []>, transpose_lhs_hint = false} : vector<2048x64xf32>, vector<64x64xf32>, vector<2048x64xf32> -> vector<2048x64xf32>
    %get3A_35 = arith.constant 0 : index
    %get3A_36 = arith.constant 0 : index
    %get3A_37 = vector.load %arg3[%get3A_35, %get3A_36] : memref<2048x1xf32, #tpu.memory_space<vmem>>, vector<2048x1xf32>
    %mul3A_38 = vector.broadcast %get3A_37 : vector<2048x1xf32> to vector<2048x64xf32>
    %mul3A_39 = arith.mulf %dot_general3A_34, %mul3A_38 : vector<2048x64xf32>
    %slice3A = vector.extract_strided_slice %mul3A_39 {offsets = [0, 0], sizes = [2048, 32], strides = [1, 1]} : vector<2048x64xf32> to vector<2048x32xf32>
    %swap3A = arith.constant 0 : index
    %swap3A_40 = arith.constant 0 : index
    %swap3A_41 = arith.constant 0 : index
    %swap3A_42 = vector.load %arg6[%swap3A, %swap3A_40, %swap3A_41] : memref<2x2048x32xf32, #tpu.memory_space<vmem>>, vector<1x2048x32xf32>
    %swap3A_43 = vector.shape_cast %swap3A_42 : vector<1x2048x32xf32> to vector<2048x32xf32>
    %swap3A_44 = vector.shape_cast %slice3A : vector<2048x32xf32> to vector<1x2048x32xf32>
    tpu.vector_store %arg6[%swap3A, %swap3A_40, %swap3A_41], %swap3A_44 {strides = array<i32>} : memref<2x2048x32xf32, #tpu.memory_space<vmem>>, vector<1x2048x32xf32>,
    %slice3A_45 = vector.extract_strided_slice %mul3A_39 {offsets = [0, 32], sizes = [2048, 32], strides = [1, 1]} : vector<2048x64xf32> to vector<2048x32xf32>
    %swap3A_46 = arith.constant 1 : index
    %swap3A_47 = arith.constant 0 : index
    %swap3A_48 = arith.constant 0 : index
    %swap3A_49 = vector.load %arg6[%swap3A_46, %swap3A_47, %swap3A_48] : memref<2x2048x32xf32, #tpu.memory_space<vmem>>, vector<1x2048x32xf32>
    %swap3A_50 = vector.shape_cast %swap3A_49 : vector<1x2048x32xf32> to vector<2048x32xf32>
    %swap3A_51 = vector.shape_cast %slice3A_45 : vector<2048x32xf32> to vector<1x2048x32xf32>
    tpu.vector_store %arg6[%swap3A_46, %swap3A_47, %swap3A_48], %swap3A_51 {strides = array<i32>} : memref<2x2048x32xf32, #tpu.memory_space<vmem>>, vector<1x2048x32xf32>,
    return
  }
  func.func @transform_0(%arg0: i32) -> (i32, i32, i32) {
    %c0_i32 = arith.constant 0 : i32
    %c0_i32_0 = arith.constant 0 : i32
    %c0_i32_1 = arith.constant 0 : i32
    return %c0_i32, %arg0, %c0_i32_0 : i32, i32, i32
  }
  func.func @transform_1(%arg0: i32) -> (i32, i32, i32) {
    %c0_i32 = arith.constant 0 : i32
    %c0_i32_0 = arith.constant 0 : i32
    %c0_i32_1 = arith.constant 0 : i32
    return %c0_i32, %arg0, %c0_i32_0 : i32, i32, i32
  }
  func.func @transform_2(%arg0: i32) -> (i32, i32) {
    %c0_i32 = arith.constant 0 : i32
    %c0_i32_0 = arith.constant 0 : i32
    return %arg0, %c0_i32 : i32, i32
  }
  func.func @transform_3(%arg0: i32) -> (i32, i32) {
    %c0_i32 = arith.constant 0 : i32
    %c0_i32_0 = arith.constant 0 : i32
    %c0_i32_1 = arith.constant 0 : i32
    return %c0_i32, %c0_i32_0 : i32, i32
  }
  func.func @transform_4(%arg0: i32) -> (i32, i32) {
    %c0_i32 = arith.constant 0 : i32
    %c0_i32_0 = arith.constant 0 : i32
    %c0_i32_1 = arith.constant 0 : i32
    return %c0_i32, %c0_i32_0 : i32, i32
  }
  func.func @transform_5(%arg0: i32) -> (i32, i32, i32) {
    %c0_i32 = arith.constant 0 : i32
    %c0_i32_0 = arith.constant 0 : i32
    %c0_i32_1 = arith.constant 0 : i32
    return %c0_i32, %arg0, %c0_i32_0 : i32, i32, i32
  }
}

module attributes {stable_mosaic.version = 14 : i64} {
  func.func @body(%arg0: i32, %arg1: memref<2x2048x32xf32, #tpu.memory_space<vmem>>, %arg2: memref<2x2048x32xf32, #tpu.memory_space<vmem>>, %arg3: memref<2048x1xf32, #tpu.memory_space<vmem>>, %arg4: memref<1x64xf32, #tpu.memory_space<vmem>>, %arg5: memref<2048x1xi32, #tpu.memory_space<vmem>>, %arg6: memref<64x32xf32, #tpu.memory_space<vmem>>, %arg7: memref<1x32xf32, #tpu.memory_space<vmem>>, %arg8: memref<32x2xf32, #tpu.memory_space<vmem>>, %arg9: memref<1x2xf32, #tpu.memory_space<vmem>>, %arg10: memref<64x2xf32, #tpu.memory_space<vmem>>, %arg11: memref<64x64xf32, #tpu.memory_space<vmem>>, %arg12: memref<64x1xf32, #tpu.memory_space<vmem>>) attributes {dimension_semantics = [#tpu.dimension_semantics<arbitrary>], iteration_bounds = array<i64: 5>, scalar_prefetch = 0 : i64, scratch_operands = 2 : i64, tpu.core_type = #tpu.core_type<tc>, window_params = [{transform_indices = @transform_0, window_bounds = array<i64: 2, 2048, 32>}, {transform_indices = @transform_1, window_bounds = array<i64: 2, 2048, 32>}, {transform_indices = @transform_2, window_bounds = array<i64: 2048, 1>}, {pipeline_mode = #tpu.pipeline_mode<synchronous>, transform_indices = @transform_3, window_bounds = array<i64: 1, 64>}, {transform_indices = @transform_4, window_bounds = array<i64: 2048, 1>}, {pipeline_mode = #tpu.pipeline_mode<synchronous>, transform_indices = @transform_5, window_bounds = array<i64: 64, 32>}, {pipeline_mode = #tpu.pipeline_mode<synchronous>, transform_indices = @transform_6, window_bounds = array<i64: 1, 32>}, {pipeline_mode = #tpu.pipeline_mode<synchronous>, transform_indices = @transform_7, window_bounds = array<i64: 32, 2>}, {pipeline_mode = #tpu.pipeline_mode<synchronous>, transform_indices = @transform_8, window_bounds = array<i64: 1, 2>}, {pipeline_mode = #tpu.pipeline_mode<synchronous>, transform_indices = @transform_9, window_bounds = array<i64: 64, 2>}]} {
    %eq3A = arith.constant 0 : i32
    %eq3A_0 = arith.cmpi eq, %arg0, %eq3A : i32
    %convert_element_type3A = arith.extui %eq3A_0 : i1 to i32
    %cond3A = arith.constant 0 : i32
    %cond3A_1 = arith.cmpi ne, %convert_element_type3A, %cond3A : i32
    scf.if %cond3A_1 {
      %broadcast_in_dim3A_62 = arith.constant 0.000000e+00 : f32
      %broadcast_in_dim3A_63 = vector.broadcast %broadcast_in_dim3A_62 : f32 to vector<64x64xf32>
      %swap3A_64 = arith.constant 0 : index
      %swap3A_65 = arith.constant 0 : index
      %swap3A_66 = vector.load %arg11[%swap3A_64, %swap3A_65] : memref<64x64xf32, #tpu.memory_space<vmem>>, vector<64x64xf32>
      tpu.vector_store %arg11[%swap3A_64, %swap3A_65], %broadcast_in_dim3A_63 {strides = array<i32>} : memref<64x64xf32, #tpu.memory_space<vmem>>, vector<64x64xf32>,
      %broadcast_in_dim3A_67 = arith.constant 0.000000e+00 : f32
      %broadcast_in_dim3A_68 = vector.broadcast %broadcast_in_dim3A_67 : f32 to vector<64x1xf32>
      %swap3A_69 = arith.constant 0 : index
      %swap3A_70 = arith.constant 0 : index
      %swap3A_71 = vector.load %arg12[%swap3A_69, %swap3A_70] : memref<64x1xf32, #tpu.memory_space<vmem>>, vector<64x1xf32>
      tpu.vector_store %arg12[%swap3A_69, %swap3A_70], %broadcast_in_dim3A_68 {strides = array<i32>} : memref<64x1xf32, #tpu.memory_space<vmem>>, vector<64x1xf32>,
    } else {
    }
    %get3A = arith.constant 0 : index
    %get3A_2 = arith.constant 0 : index
    %get3A_3 = arith.constant 0 : index
    %get3A_4 = vector.load %arg1[%get3A, %get3A_2, %get3A_3] : memref<2x2048x32xf32, #tpu.memory_space<vmem>>, vector<1x2048x32xf32>
    %get3A_5 = vector.shape_cast %get3A_4 : vector<1x2048x32xf32> to vector<2048x32xf32>
    %get3A_6 = arith.constant 0 : index
    %get3A_7 = arith.constant 0 : index
    %get3A_8 = arith.constant 0 : index
    %get3A_9 = vector.load %arg2[%get3A_6, %get3A_7, %get3A_8] : memref<2x2048x32xf32, #tpu.memory_space<vmem>>, vector<1x2048x32xf32>
    %get3A_10 = vector.shape_cast %get3A_9 : vector<1x2048x32xf32> to vector<2048x32xf32>
    %add3A = arith.addf %get3A_5, %get3A_10 : vector<2048x32xf32>
    %get3A_11 = arith.constant 1 : index
    %get3A_12 = arith.constant 0 : index
    %get3A_13 = arith.constant 0 : index
    %get3A_14 = vector.load %arg1[%get3A_11, %get3A_12, %get3A_13] : memref<2x2048x32xf32, #tpu.memory_space<vmem>>, vector<1x2048x32xf32>
    %get3A_15 = vector.shape_cast %get3A_14 : vector<1x2048x32xf32> to vector<2048x32xf32>
    %get3A_16 = arith.constant 1 : index
    %get3A_17 = arith.constant 0 : index
    %get3A_18 = arith.constant 0 : index
    %get3A_19 = vector.load %arg2[%get3A_16, %get3A_17, %get3A_18] : memref<2x2048x32xf32, #tpu.memory_space<vmem>>, vector<1x2048x32xf32>
    %get3A_20 = vector.shape_cast %get3A_19 : vector<1x2048x32xf32> to vector<2048x32xf32>
    %add3A_21 = arith.addf %get3A_15, %get3A_20 : vector<2048x32xf32>
    %concatenate3A = tpu.concatenate %add3A, %add3A_21 in 1 : vector<2048x32xf32>, vector<2048x32xf32> -> vector<2048x64xf32>
    %get3A_22 = arith.constant 0 : index
    %get3A_23 = arith.constant 0 : index
    %get3A_24 = vector.load %arg3[%get3A_22, %get3A_23] : memref<2048x1xf32, #tpu.memory_space<vmem>>, vector<2048x1xf32>
    %mul3A = vector.broadcast %get3A_24 : vector<2048x1xf32> to vector<2048x64xf32>
    %mul3A_25 = arith.mulf %concatenate3A, %mul3A : vector<2048x64xf32>
    %get3A_26 = arith.constant 0 : index
    %get3A_27 = arith.constant 0 : index
    %get3A_28 = vector.load %arg4[%get3A_26, %get3A_27] : memref<1x64xf32, #tpu.memory_space<vmem>>, vector<1x64xf32>
    %add3A_29 = vector.broadcast %get3A_28 : vector<1x64xf32> to vector<2048x64xf32>
    %add3A_30 = arith.addf %mul3A_25, %add3A_29 : vector<2048x64xf32>
    %max3A = arith.constant 0.000000e+00 : f32
    %max3A_31 = vector.broadcast %max3A : f32 to vector<2048x64xf32>
    %max3A_32 = arith.maximumf %add3A_30, %max3A_31 : vector<2048x64xf32>
    %get3A_33 = arith.constant 0 : index
    %get3A_34 = arith.constant 0 : index
    %get3A_35 = vector.load %arg5[%get3A_33, %get3A_34] : memref<2048x1xi32, #tpu.memory_space<vmem>>, vector<2048x1xi32>
    %iota3A = tpu.iota {dimensions = array<i32: 1>} : vector<2048x64xi32>
    %eq3A_36 = vector.broadcast %get3A_35 : vector<2048x1xi32> to vector<2048x64xi32>
    %eq3A_37 = arith.cmpi eq, %eq3A_36, %iota3A : vector<2048x64xi32>
    %convert_element_type3A_38 = arith.extui %eq3A_37 : vector<2048x64xi1> to vector<2048x64xi32>
    %convert_element_type3A_39 = arith.sitofp %convert_element_type3A_38 : vector<2048x64xi32> to vector<2048x64xf32>
    %get3A_40 = arith.constant 0 : index
    %get3A_41 = arith.constant 0 : index
    %get3A_42 = vector.load %arg11[%get3A_40, %get3A_41] : memref<64x64xf32, #tpu.memory_space<vmem>>, vector<64x64xf32>
    %dot_general3A = arith.constant dense<0.000000e+00> : vector<64x64xf32>
    %dot_general3A_43 = tpu.matmul %convert_element_type3A_39, %max3A_32, %dot_general3A {dimension_numbers = #tpu.dot_dimension_numbers<[0], [0], [1], [1], [0, 1, 1, 1], [], []>, transpose_lhs_hint = false} : vector<2048x64xf32>, vector<2048x64xf32>, vector<64x64xf32> -> vector<64x64xf32>
    %add3A_44 = arith.addf %get3A_42, %dot_general3A_43 : vector<64x64xf32>
    %swap3A = arith.constant 0 : index
    %swap3A_45 = arith.constant 0 : index
    %swap3A_46 = vector.load %arg11[%swap3A, %swap3A_45] : memref<64x64xf32, #tpu.memory_space<vmem>>, vector<64x64xf32>
    tpu.vector_store %arg11[%swap3A, %swap3A_45], %add3A_44 {strides = array<i32>} : memref<64x64xf32, #tpu.memory_space<vmem>>, vector<64x64xf32>,
    %get3A_47 = arith.constant 0 : index
    %get3A_48 = arith.constant 0 : index
    %get3A_49 = vector.load %arg12[%get3A_47, %get3A_48] : memref<64x1xf32, #tpu.memory_space<vmem>>, vector<64x1xf32>
    %broadcast_in_dim3A = arith.constant 1.000000e+00 : f32
    %broadcast_in_dim3A_50 = vector.broadcast %broadcast_in_dim3A : f32 to vector<2048x1xf32>
    %dot_general3A_51 = arith.constant dense<0.000000e+00> : vector<64x1xf32>
    %dot_general3A_52 = tpu.matmul %convert_element_type3A_39, %broadcast_in_dim3A_50, %dot_general3A_51 {dimension_numbers = #tpu.dot_dimension_numbers<[0], [0], [1], [1], [0, 1, 1, 1], [], []>, transpose_lhs_hint = false} : vector<2048x64xf32>, vector<2048x1xf32>, vector<64x1xf32> -> vector<64x1xf32>
    %add3A_53 = arith.addf %get3A_49, %dot_general3A_52 : vector<64x1xf32>
    %swap3A_54 = arith.constant 0 : index
    %swap3A_55 = arith.constant 0 : index
    %swap3A_56 = vector.load %arg12[%swap3A_54, %swap3A_55] : memref<64x1xf32, #tpu.memory_space<vmem>>, vector<64x1xf32>
    tpu.vector_store %arg12[%swap3A_54, %swap3A_55], %add3A_53 {strides = array<i32>} : memref<64x1xf32, #tpu.memory_space<vmem>>, vector<64x1xf32>,
    %eq3A_57 = arith.constant 4 : i32
    %eq3A_58 = arith.cmpi eq, %arg0, %eq3A_57 : i32
    %convert_element_type3A_59 = arith.extui %eq3A_58 : i1 to i32
    %cond3A_60 = arith.constant 0 : i32
    %cond3A_61 = arith.cmpi ne, %convert_element_type3A_59, %cond3A_60 : i32
    scf.if %cond3A_61 {
      %get3A_62 = arith.constant 0 : index
      %get3A_63 = arith.constant 0 : index
      %get3A_64 = vector.load %arg11[%get3A_62, %get3A_63] : memref<64x64xf32, #tpu.memory_space<vmem>>, vector<64x64xf32>
      %get3A_65 = arith.constant 0 : index
      %get3A_66 = arith.constant 0 : index
      %get3A_67 = vector.load %arg12[%get3A_65, %get3A_66] : memref<64x1xf32, #tpu.memory_space<vmem>>, vector<64x1xf32>
      %max3A_68 = arith.constant 1.000000e+00 : f32
      %max3A_69 = vector.broadcast %max3A_68 : f32 to vector<64x1xf32>
      %max3A_70 = arith.maximumf %get3A_67, %max3A_69 : vector<64x1xf32>
      %div3A = vector.broadcast %max3A_70 : vector<64x1xf32> to vector<64x64xf32>
      %div3A_71 = arith.divf %get3A_64, %div3A : vector<64x64xf32>
      %get3A_72 = arith.constant 0 : index
      %get3A_73 = arith.constant 0 : index
      %get3A_74 = vector.load %arg6[%get3A_72, %get3A_73] : memref<64x32xf32, #tpu.memory_space<vmem>>, vector<64x32xf32>
      %dot_general3A_75 = arith.constant dense<0.000000e+00> : vector<64x32xf32>
      %dot_general3A_76 = tpu.matmul %div3A_71, %get3A_74, %dot_general3A_75 {dimension_numbers = #tpu.dot_dimension_numbers<[1], [0], [0], [1], [0, 0, 1, 1], [], []>, transpose_lhs_hint = false} : vector<64x64xf32>, vector<64x32xf32>, vector<64x32xf32> -> vector<64x32xf32>
      %get3A_77 = arith.constant 0 : index
      %get3A_78 = arith.constant 0 : index
      %get3A_79 = vector.load %arg7[%get3A_77, %get3A_78] : memref<1x32xf32, #tpu.memory_space<vmem>>, vector<1x32xf32>
      %add3A_80 = vector.broadcast %get3A_79 : vector<1x32xf32> to vector<64x32xf32>
      %add3A_81 = arith.addf %dot_general3A_76, %add3A_80 : vector<64x32xf32>
      %max3A_82 = arith.constant 0.000000e+00 : f32
      %max3A_83 = vector.broadcast %max3A_82 : f32 to vector<64x32xf32>
      %max3A_84 = arith.maximumf %add3A_81, %max3A_83 : vector<64x32xf32>
      %get3A_85 = arith.constant 0 : index
      %get3A_86 = arith.constant 0 : index
      %get3A_87 = vector.load %arg8[%get3A_85, %get3A_86] : memref<32x2xf32, #tpu.memory_space<vmem>>, vector<32x2xf32>
      %dot_general3A_88 = arith.constant dense<0.000000e+00> : vector<64x2xf32>
      %dot_general3A_89 = tpu.matmul %max3A_84, %get3A_87, %dot_general3A_88 {dimension_numbers = #tpu.dot_dimension_numbers<[1], [0], [0], [1], [0, 0, 1, 1], [], []>, transpose_lhs_hint = false} : vector<64x32xf32>, vector<32x2xf32>, vector<64x2xf32> -> vector<64x2xf32>
      %get3A_90 = arith.constant 0 : index
      %get3A_91 = arith.constant 0 : index
      %get3A_92 = vector.load %arg9[%get3A_90, %get3A_91] : memref<1x2xf32, #tpu.memory_space<vmem>>, vector<1x2xf32>
      %add3A_93 = vector.broadcast %get3A_92 : vector<1x2xf32> to vector<64x2xf32>
      %add3A_94 = arith.addf %dot_general3A_89, %add3A_93 : vector<64x2xf32>
      %swap3A_95 = arith.constant 0 : index
      %swap3A_96 = arith.constant 0 : index
      %swap3A_97 = vector.load %arg10[%swap3A_95, %swap3A_96] : memref<64x2xf32, #tpu.memory_space<vmem>>, vector<64x2xf32>
      tpu.vector_store %arg10[%swap3A_95, %swap3A_96], %add3A_94 {strides = array<i32>} : memref<64x2xf32, #tpu.memory_space<vmem>>, vector<64x2xf32>,
    } else {
    }
    return
  }
  func.func @transform_0(%arg0: i32) -> (i32, i32, i32) {
    %c0_i32 = arith.constant 0 : i32
    %c0_i32_0 = arith.constant 0 : i32
    %c0_i32_1 = arith.constant 0 : i32
    return %c0_i32, %arg0, %c0_i32_0 : i32, i32, i32
  }
  func.func @transform_1(%arg0: i32) -> (i32, i32, i32) {
    %c0_i32 = arith.constant 0 : i32
    %c0_i32_0 = arith.constant 0 : i32
    %c0_i32_1 = arith.constant 0 : i32
    return %c0_i32, %arg0, %c0_i32_0 : i32, i32, i32
  }
  func.func @transform_2(%arg0: i32) -> (i32, i32) {
    %c0_i32 = arith.constant 0 : i32
    %c0_i32_0 = arith.constant 0 : i32
    return %arg0, %c0_i32 : i32, i32
  }
  func.func @transform_3(%arg0: i32) -> (i32, i32) {
    %c0_i32 = arith.constant 0 : i32
    %c0_i32_0 = arith.constant 0 : i32
    %c0_i32_1 = arith.constant 0 : i32
    return %c0_i32, %c0_i32_0 : i32, i32
  }
  func.func @transform_4(%arg0: i32) -> (i32, i32) {
    %c0_i32 = arith.constant 0 : i32
    %c0_i32_0 = arith.constant 0 : i32
    return %arg0, %c0_i32 : i32, i32
  }
  func.func @transform_5(%arg0: i32) -> (i32, i32) {
    %c0_i32 = arith.constant 0 : i32
    %c0_i32_0 = arith.constant 0 : i32
    %c0_i32_1 = arith.constant 0 : i32
    return %c0_i32, %c0_i32_0 : i32, i32
  }
  func.func @transform_6(%arg0: i32) -> (i32, i32) {
    %c0_i32 = arith.constant 0 : i32
    %c0_i32_0 = arith.constant 0 : i32
    %c0_i32_1 = arith.constant 0 : i32
    return %c0_i32, %c0_i32_0 : i32, i32
  }
  func.func @transform_7(%arg0: i32) -> (i32, i32) {
    %c0_i32 = arith.constant 0 : i32
    %c0_i32_0 = arith.constant 0 : i32
    %c0_i32_1 = arith.constant 0 : i32
    return %c0_i32, %c0_i32_0 : i32, i32
  }
  func.func @transform_8(%arg0: i32) -> (i32, i32) {
    %c0_i32 = arith.constant 0 : i32
    %c0_i32_0 = arith.constant 0 : i32
    %c0_i32_1 = arith.constant 0 : i32
    return %c0_i32, %c0_i32_0 : i32, i32
  }
  func.func @transform_9(%arg0: i32) -> (i32, i32) {
    %c0_i32 = arith.constant 0 : i32
    %c0_i32_0 = arith.constant 0 : i32
    %c0_i32_1 = arith.constant 0 : i32
    return %c0_i32, %c0_i32_0 : i32, i32
  }
}

</mosaic_0001>

<sc_bundles>
// kernel: kernel.11.cloned.1.call-start
scs
__scs_entry_jumppad:
0x0: {  	(pc) =	sbr.rel $0x88, $3  }
0x1: {  	(tag) =	ssettag $0x0;
	lr =	simm.s32 $0x1  }
0x2: {  	[smem:$0x3F96] =	sst lr;
	_ =	strace $0xD0000000  }
0x3: {  	_ = 	snop  }
0x4: {  	_ = 	snop  }
0x5: {  	_ = 	snop  }
0x6: {  	_ = 	snop  }
0x7: {  	_ = 	snop  }
__scs_overlays_trampoline_lowered:
0x8: {  	[smem:$0x3FA5] =	sst s0  }
0x9: {  	[smem:$0x3FA6] =	sst s1  }
0xa: {  	[smem:$0x3FA7] =	sst s2  }
0xb: {  	[smem:$0x3FA8] =	sst s3  }
0xc: {  	[smem:$0x3FA9] =	sst s4  }
0xd: {  	[smem:$0x3FAA] =	sst s5  }
0xe: {  	[smem:$0x3FAB] =	sst s6  }
0xf: {  	[smem:$0x3FAC] =	sst s7  }
0x10: {  	[smem:$0x3FAD] =	sst s8  }
0x11: {  	[smem:$0x3FAE] =	sst s9;
	s0 =	simm.s32 @!p0 $0x0  }
0x12: {  	s1 =	sld [smem:$0x3F94];
	s0 =	simm.s32 @p0 $0x1  }
0x13: {  	[smem:$0x3FAF] =	sst s0;
	s0 =	simm.s32 @!p1 $0x0  }
0x14: {  	s2 =	sld [smem:$0x3F93];
	s0 =	simm.s32 @p1 $0x1  }
0x15: {  	[smem:$0x3FB0] =	sst s0;
	s0 =	simm.s32 @!p2 $0x0  }
0x16: {  	s3 =	sld [smem:$0x3FDB];
	s0 =	simm.s32 @p2 $0x1  }
0x17: {  	s4 =	simm.s32 $0x1BF5;
	[smem:$0x3FB2] =	sst s0  }
0x18: {  	s0 =	sld [smem:$0x3F95];
	_ =	swait.ge [sflag:s4], $0x0  }
0x19: {  	s7 =	sld [smem:$0x3F96]  }
0x1a: {  	s8 =	sadd.s32 $0xFFFFE003, lr  }
0x1b: {  	s9 =	sadd.s32 $0xFFFFFEF7, lr;
	s5 =	simm.s32 $0xFFFFFFFF;
	p2 =	slt.u32 s8, $0xFFFFF086  }
0x1c: {  	p1 =	slt.u32 s9, $0xF7A;
	s5 =	simm.s32 @!p2 $0x0  }
0x1d: {  	s5 =	simm.s32 @p1 $0x1;
	p0 =	seq.s32 s7, s2  }
0x1e: {  	s7 =	smul.u32 @!p0 $0xF7A, s2;
	p2 =	seq.s32 @!p0 s5, $0x0  }
0x1f: {  	s9 =	smul.u32 $0xF7A, s1;
	s8 =	simm.s32 @!p0 $0x1BF5;
	p2 =	por !p2, p0  }
0x20: {  	[sflag:s8] =	ssyncset.s32 @!p0 $0xFFFFF086;
	s6 =	sadd.s32 @!p0 s3, s7;
	s7 =	simm.s32 @!p0 $0x108  }
0x21: {  	s3 =	sadd.s32 s3, s9;
	s6 =	sadd.s32 @!p0 $0x88, s6;
	s7 =	simm.s32 @p2 $0x1082  }
0x22: {  	[simem:s7], [sflag:s8] =	dma.local @!p0 [hbm:s6], $0xF7A  }
0x23: {  	s9 =	sor.u32 $0xD0000000, s2;
	s6 =	simm.s32 $0x108;
	_ =	swait.ge @!p0 [sflag:s8], $0x0  }
0x24: {  	s3 =	sadd.s32 $0x88, s3;
	s6 =	simm.s32 @!p1 $0x1082;
	[sflag:s4] =	ssyncset.s32 $0xFFFFF086  }
0x25: {  	[simem:s6], [sflag:s4] =	dma.local [hbm:s3], $0xF7A  }
0x26: {  	[smem:$0x3F96] =	sst s1;
	(tag) =	ssettag s2;
	_ =	strace s9  }
0x27: {  	s1 =	sld [smem:$0x3FA6]  }
0x28: {  	s2 =	sld [smem:$0x3FA7]  }
0x29: {  	s4 =	sld [smem:$0x3FA9]  }
0x2a: {  	p0 =	seq.s32 s5, $0x0;
	s5 =	sld [smem:$0x3FAA]  }
0x2b: {  	s6 =	sld [smem:$0x3FAB]  }
0x2c: {  	s7 =	sld [smem:$0x3FAC]  }
0x2d: {  	s3 =	simm.s32 $0x108;
	s8 =	sld [smem:$0x3FAD]  }
0x2e: {  	s3 =	simm.s32 @!p0 $0x1082;
	s9 =	sld [smem:$0x3FAE]  }
0x2f: {  	lr =	sadd.s32 s0, s3;
	s0 =	sld [smem:$0x3FA5]  }
0x30: {  	s3 =	sld [smem:$0x3FA8]  }
0x31: {  	[smem:$0x3FB1] =	sst s10  }
0x32: {  	s10 =	sld [smem:$0x3FAF];
	_ =	sdelay $0x3  }
0x33: {  	p0 =	seq.s32 s10, $0x1;
	s10 =	sld [smem:$0x3FB1];
	_ =	sdelay $0x3  }
0x34: {  	[smem:$0x3FB1] =	sst s10  }
0x35: {  	s10 =	sld [smem:$0x3FB0];
	_ =	sdelay $0x3  }
0x36: {  	p1 =	seq.s32 s10, $0x1;
	s10 =	sld [smem:$0x3FB1];
	_ =	sdelay $0x3  }
0x37: {  	[smem:$0x3FB1] =	sst s10  }
0x38: {  	s10 =	sld [smem:$0x3FB2]  }
0x39: {  	_ = 	snop;
	(pc) =	sbr.ind lr, $3  }
0x3a: {  	_ = 	snop  }
0x3b: {  	_ = 	snop  }
0x3c: {  	p2 =	seq.s32 s10, $0x1;
	s10 =	sld [smem:$0x3FB1]  }
0x3d: {  	_ =	shalt  }
0x3e: {  	_ =	shalt  }
0x3f: {  	_ =	shalt  }
0x40: {  	_ =	shalt  }
0x41: {  	_ =	shalt  }
0x42: {  	_ =	shalt  }
0x43: {  	_ =	shalt  }
0x44: {  	_ =	shalt  }
0x45: {  	_ =	shalt  }
0x46: {  	_ =	shalt  }
0x47: {  	_ =	shalt  }
0x48: {  	_ =	shalt  }
0x49: {  	_ =	shalt  }
0x4a: {  	_ =	shalt  }
0x4b: {  	_ =	shalt  }
0x4c: {  	_ =	shalt  }
0x4d: {  	_ =	shalt  }
0x4e: {  	_ =	shalt  }
0x4f: {  	_ =	shalt  }
0x50: {  	_ =	shalt  }
0x51: {  	_ =	shalt  }
0x52: {  	_ =	shalt  }
0x53: {  	_ =	shalt  }
0x54: {  	_ =	shalt  }
0x55: {  	_ =	shalt  }
0x56: {  	_ =	shalt  }
0x57: {  	_ =	shalt  }
0x58: {  	_ =	shalt  }
0x59: {  	_ =	shalt  }
0x5a: {  	_ =	shalt  }
0x5b: {  	_ =	shalt  }
0x5c: {  	_ =	shalt  }
0x5d: {  	_ =	shalt  }
0x5e: {  	_ =	shalt  }
0x5f: {  	_ =	shalt  }
0x60: {  	_ =	shalt  }
0x61: {  	_ =	shalt  }
0x62: {  	_ =	shalt  }
0x63: {  	_ =	shalt  }
0x64: {  	_ =	shalt  }
0x65: {  	_ =	shalt  }
0x66: {  	_ =	shalt  }
0x67: {  	_ =	shalt  }
0x68: {  	_ =	shalt  }
0x69: {  	_ =	shalt  }
0x6a: {  	_ =	shalt  }
0x6b: {  	_ =	shalt  }
0x6c: {  	_ =	shalt  }
0x6d: {  	_ =	shalt  }
0x6e: {  	_ =	shalt  }
0x6f: {  	_ =	shalt  }
0x70: {  	_ =	shalt  }
0x71: {  	_ =	shalt  }
0x72: {  	_ =	shalt  }
0x73: {  	_ =	shalt  }
0x74: {  	_ =	shalt  }
0x75: {  	_ =	shalt  }
0x76: {  	_ =	shalt  }
0x77: {  	_ =	shalt  }
0x78: {  	_ =	shalt  }
0x79: {  	_ =	shalt  }
0x7a: {  	_ =	shalt  }
0x7b: {  	_ =	shalt  }
0x7c: {  	_ =	shalt  }
0x7d: {  	_ =	shalt  }
0x7e: {  	_ =	shalt  }
0x7f: {  	_ =	shalt  }
0x80: {  	_ =	shalt  }
0x81: {  	_ =	shalt  }
0x82: {  	_ =	shalt  }
0x83: {  	_ =	shalt  }
0x84: {  	_ =	shalt  }
0x85: {  	_ =	shalt  }
0x86: {  	_ =	shalt  }
0x87: {  	_ =	shalt  }
.Lfunc_end0:
.L_simem_size_0:
called_computation.1_lowered:
.L_overlay_start_0:
0x88: {  	s2 =	sld [smem:$0x3FD9]  }
0x89: {  	s3 =	sld [smem:$0x3FFE];
	_ =	sdelay $0x1  }
0x8a: {  	s1 =	srdreg.scid  }
0x8b: {  	s0 =	sand.u32 $0x1, s1  }
0x8c: {  	s16 =	sshll.u32 s0, $0xA;
	s2 =	sadd.s32 s3, s2  }
0x8d: {  	s2 =	sadd.s32 s2, s16  }
0x8e: {  	[smem:$0x3FBD] =	sst s2  }
0x8f: {  	_ = 	snop  }
0x90: {  	(tm) =	ssettm $0x1  }
0x91: {  	s17 =	sld [smem:$0x3FFB];
	_ =	sdelay $0x3  }
0x92: {  	_ =	strace s17  }
0x93: {  	s2 =	sld [smem:$0x3FFC];
	_ =	sdelay $0x3  }
0x94: {  	_ =	strace s2  }
0x95: {  	s2 =	sld [smem:$0x3FFD];
	_ =	sdelay $0x3  }
0x96: {  	_ =	strace s2  }
0x97: {  	_ =	strace $0x8FFFFFFF  }
0x98: {  	s18 =	sld [smem:$0x3FDB];
	_ =	sdelay $0x1  }
0x99: {  	s19 =	simm.s32 $_scs_section_size  }
0x9a: {  	s4 =	simm.s32 $_size__tile_overlayer_lowered;
	s5 =	simm.s32 $_tile_overlayer_lowered  }
0x9b: {  	s22 =	simm.s32 $0x1BFF;
	s21 =	sshll.u32 s5, $0x1;
	s2 =	sadd.s32 s19, s18  }
0x9c: {  	s6 =	simm.s32 $0x0;
	s20 =	sshll.u32 s4, $0x1;
	s4 =	sadd.s32 s21, s2  }
0x9d: {  	[timem:s6], [sflag:s22] =	dma.local [hbm:s4], s20  }
0x9e: {  	_ =	swait.ge [sflag:s22], s20  }
0x9f: {  	s3 =	ssub.s32 $0x0, s20;
	[sflag:s22] =	ssyncset.done $0x0  }
0xa0: {  	[sflag:s22] =	ssyncadd.s32 s3;
	_ =	sdelay $0x1  }
0xa1: {  	s23 =	simm.s32 $0x1B8B  }
0xa2: {  	_ =	swait.ge [sflag:s23], $0x1  }
0xa3: {  	[sflag:s23] =	ssyncset.done $0x0  }
0xa4: {  	s25 =	simm.s32 $0x1B8E;
	s24 =	sld [smem:$0x3FFE];
	[sflag:s23] =	ssyncadd.s32 $0xFFFFFFFF  }
0xa5: {  	s26 =	simm.s32 $execute0_lowered;
	[smem:$0x3FD2] =	sst s25  }
0xa6: {  	s4 =	sshll.u32 s26, $0x1;
	_ =	strace $0x80000049;
	[dreg:$0x1] =	wrdreg $0xFFFFFFFF  }
0xa7: {  	s28 =	simm.s32 $_size_execute0_lowered;
	s2 =	sadd.s32 s2, s4;
	[dreg:$0x0] =	wrdreg $0x0  }
0xa8: {  	s4 =	sshll.u32 s28, $0x1;
	[dreg:$0x2] =	wrdreg s2  }
0xa9: {  	[dreg:$0x3] =	wrdreg s4  }
0xaa: {  	[dreg:$0x4] =	wrdreg $0xC0  }
0xab: {  	_ =	task [dreg:s6], $0x5FFFF  }
0xac: {  	[dreg:$0x1] =	wrdreg $0xFFFFFFFF  }
0xad: {  	[dreg:$0x0] =	wrdreg $0x60  }
0xae: {  	[dreg:$0x2] =	wrdreg s24  }
0xaf: {  	[dreg:$0x3] =	wrdreg $0x122000  }
0xb0: {  	[dreg:$0x4] =	wrdreg $0x172000  }
0xb1: {  	[dreg:$0x5] =	wrdreg $0x9  }
0xb2: {  	_ =	task.clear_ibuf [dreg:s6], $0x6FFFF;
	_ =	strace $0x90000049  }
0xb3: {  	s29 =	simm.s32 $0x9;
	_ =	strace $0x8000004B  }
0xb4: {  	_ =	swait.ge [sflag:s29], $0x1  }
0xb5: {  	[sflag:s29] =	ssyncadd.s32 $0xFFFFFFFF  }
0xb6: {  	_ =	strace $0x9000004B  }
0xb7: {  	_ =	sfence  }
0xb8: {  	s30 =	sld [smem:$0x0];
	_ =	sdelay $0x2  }
0xb9: {  	s31 =	sshll.u32 s1, $0xD;
	s1 =	sshrl.u32 s1, $0x2  }
0xba: {  	s3 =	sand.u32 $0x4000, s31;
	s1 =	sadd.s32 s1, s30  }
0xbb: {  	s0 =	sor.u32 s3, s0;
	s1 =	sshll.u32 s1, $0x11  }
0xbc: {  	s0 =	sor.u32 s1, s0  }
0xbd: {  	s0 =	sadd.s32 $0x8F2B, s0  }
0xbe: {  	[sflag:s0] =	ssyncadd.remote.s32 $0x1  }
0xbf: {  	_ =	sfence.sel $0xFFFF  }
0xc0: {  	[dreg:$0x0] =	wrdreg $0xFFFFFFFF;
	(pc) =	sbr.abs _section_cstart, $3  }
0xc1: {  	[dreg:$0x1] =	wrdreg $0xFFFFFFFF  }
0xc2: {  	_ =	task.clear_ibuf [dreg:s6], $0x2FFFF;
	_ =	strace $0x9FFFFFFF  }
0xc3: {  	(tm) =	ssettm $0x7FFFFFFF  }
tec
execute0_lowered:
.L_overlay_start_1:
0x0: {  	(tag) =	ssettag $0x1  }
0x1: {  	s5 =	rddreg [dreg:$0x0]  }
0x2: {  	s2 =	rddreg [dreg:$0x1]  }
0x3: {  	s3 =	rddreg [dreg:$0x2];
	s1 =	stileid.u32  }
0x4: {  	s0 =	rddreg [dreg:$0x3];
	s8 =	srdreg.scid  }
0x5: {  	s4 =	simm.s32 $0x0;
	s17 =	simm.s32 $0xA200;
	s18 =	simm.s32 $0xE200  }
0x6: {  	s19 =	simm.s32 $0x1;
	s20 =	simm.s32 $0x3;
	s21 =	simm.s32 $0x400  }
0x7: {  	s22 =	simm.s32 $0x2;
	s23 =	simm.s32 $0x5400;
	s6 =	smul.u32 $0xA40, s1  }
0x8: {  	s24 =	simm.s32 $0x4;
	s25 =	simm.s32 $0x0;
	s7 =	smul.u32 $0xA00, s1  }
0x9: {  	s9 =	smul.u32 $0x5000, s1;
	s8 =	sand.u32 $0x1, s8;
	[smem:$0x7FF] =	sst s4  }
0xa: {  	s31 =	sshll.u32 s1, $0x6;
	s10 =	smul.u32 $0x50000, s8;
	_ =	strace $0x8000004A  }
0xb: {  	s28 =	ssub.s32 $0x2, s8;
	s11 =	sadd.s32 s6, s5;
	s12 =	sadd.s32 s7, s5  }
0xc: {  	s29 =	sshrl.u32 s9, $0x3;
	s30 =	sshrl.u32 s28, $0x1;
	s15 =	sadd.s32 s9, s2  }
0xd: {  	s16 =	sadd.s32 s9, s3;
	s26 =	sadd.s32 s9, s10;
	s8 =	sadd.s32 s29, s5  }
0xe: {  	s14 =	ssub.s32 s28, s30;
	s9 =	sadd.s32 $0x2E00, s12;
	s12 =	sshrl.u32 s15, $0x3  }
0xf: {  	s15 =	simm.s32 $0x5200;
	s6 =	sshrl.u32 s26, $0x3;
	s7 =	sadd.s32 $0xAAC00, s8  }
0x10: {  	s8 =	sadd.s32 $0x14800, s11;
	s11 =	smax.u32 s14, $0x1;
	s14 =	sshrl.u32 s16, $0x3  }
0x11: {  	s16 =	simm.s32 $0x200;
	s13 =	sadd.s32 s6, s5;
	s6 =	sor.u32 $0x1C05, s31  }
0x12: {  	s5 =	sadd.s32 $0x96C00, s13;
	s10 =	sadd.s32 $0xB4C00, s13;
	s13 =	simm.s32 $0x5  }
.LBB2_1:
0x13: {  	[spmem:s12], [sflag:s6] =	dma.local [hbm:s5], $0xA00  }
0x14: {  	_ =	swait.ge [sflag:s13], $0xA00  }
0x15: {  	[sflag:s13] =	ssyncset.done $0x0  }
0x16: {  	[sflag:s13] =	ssyncadd.s32 $0xFFFFF600  }
0x17: {  	[spmem:s14], [sflag:s6] =	dma.local [hbm:s7], $0xA00  }
0x18: {  	_ =	swait.ge [sflag:s13], $0xA00  }
0x19: {  	[sflag:s13] =	ssyncset.done $0x0  }
0x1a: {  	[sflag:s13] =	ssyncadd.s32 $0xFFFFF600  }
0x1b: {  	[tilespmem:s4], [sflag:$0x5] =	stream.linear.gather [hbm4b:s8+s4], $0x5200, $0x38;
	[tilespmem:$0x1C200] =	vst v63  }
0x1c: {  	_ =	swait.ge [sflag:s13], $0x5200  }
0x1d: {  	[sflag:s13] =	ssyncset.done $0x0  }
0x1e: {  	[sflag:s13] =	ssyncadd.s32 $0xFFFFAE00  }
0x1f: {  	[tilespmem:s15], [sflag:$0x5] =	stream.linear.gather [hbm4b:s9+s4], $0x5000, $0x38;
	[tilespmem:$0x1C200] =	vst v63  }
0x20: {  	_ =	swait.ge [sflag:s13], $0x5000  }
0x21: {  	[sflag:s13] =	ssyncset.done $0x0  }
0x22: {  	[sflag:s13] =	ssyncadd.s32 $0xFFFFB000  }
0x23: {  	[bflag:$0x0] =	sbarrier.arrive $0xFFFF  }
0x24: {  	[tilespmem:s17], [sflag:$0x1] =	stream.indirect.gather [spmem:s2], $0x20, s4, s16, $0xb8;
	[tilespmem:$0x1C200] =	vst v63  }
0x25: {  	_ = 	snop  }
0x26: {  	[tilespmem:s18], [sflag:$0x2] =	stream.indirect.gather [spmem:s2], $0x20, s16, s16, $0xb8;
	[tilespmem:$0x1C200] =	vst v63  }
0x27: {  	_ =	swait.ge [sflag:s19], $0x4000  }
0x28: {  	[sflag:s19] =	ssyncset.done $0x0  }
0x29: {  	[sflag:s19] =	ssyncadd.s32 $0xFFFFC000  }
0x2a: {  	[spmem:s3] =	stream.indirect.scatter.add.f32 [tilespmem:s17], [sflag:$0x3], $0x20, s15, s16, $0xb8;
	[tilespmem:$0x1C200] =	vst v63  }
0x2b: {  	_ =	swait.ge [sflag:s20], $0x4000  }
0x2c: {  	[sflag:s20] =	ssyncset.done $0x0  }
0x2d: {  	[sflag:s20] =	ssyncadd.s32 $0xFFFFC000  }
0x2e: {  	[tilespmem:s17], [sflag:$0x1] =	stream.indirect.gather [spmem:s2], $0x20, s21, s16, $0xb8;
	[tilespmem:$0x1C200] =	vst v63  }
0x2f: {  	_ =	swait.ge [sflag:s22], $0x4000  }
0x30: {  	[sflag:s22] =	ssyncset.done $0x0  }
0x31: {  	[sflag:s22] =	ssyncadd.s32 $0xFFFFC000  }
0x32: {  	[spmem:s3] =	stream.indirect.scatter.add.f32 [tilespmem:s18], [sflag:$0x4], $0x20, s23, s16, $0xb8;
	[tilespmem:$0x1C200] =	vst v63  }
0x33: {  	_ =	swait.ge [sflag:s24], $0x4000  }
0x34: {  	[sflag:s24] =	ssyncset.done $0x0  }
0x35: {  	s26 =	simm.s32 $0x600;
	[sflag:s24] =	ssyncadd.s32 $0xFFFFC000  }
0x36: {  	[tilespmem:s18], [sflag:$0x2] =	stream.indirect.gather [spmem:s2], $0x20, s26, s16, $0xb8;
	[tilespmem:$0x1C200] =	vst v63  }
0x37: {  	_ =	swait.ge [sflag:s19], $0x4000  }
0x38: {  	[sflag:s19] =	ssyncset.done $0x0  }
0x39: {  	s30 =	simm.s32 $0x5600;
	[sflag:s19] =	ssyncadd.s32 $0xFFFFC000  }
0x3a: {  	[spmem:s3] =	stream.indirect.scatter.add.f32 [tilespmem:s17], [sflag:$0x3], $0x20, s30, s16, $0xb8;
	[tilespmem:$0x1C200] =	vst v63  }
0x3b: {  	_ =	swait.ge [sflag:s20], $0x4000  }
0x3c: {  	[sflag:s20] =	ssyncset.done $0x0  }
0x3d: {  	s31 =	simm.s32 $0x800;
	[sflag:s20] =	ssyncadd.s32 $0xFFFFC000  }
0x3e: {  	[tilespmem:s17], [sflag:$0x1] =	stream.indirect.gather [spmem:s2], $0x20, s31, s16, $0xb8;
	[tilespmem:$0x1C200] =	vst v63  }
0x3f: {  	_ =	swait.ge [sflag:s22], $0x4000  }
0x40: {  	[sflag:s22] =	ssyncset.done $0x0  }
0x41: {  	s28 =	simm.s32 $0x5800;
	s26 =	simm.s32 $0xFFFEE000;
	[sflag:s22] =	ssyncadd.s32 $0xFFFFC000  }
.LBB2_2:
0x42: {  	[spmem:s3] =	stream.indirect.scatter.add.f32 [tilespmem:s18], [sflag:$0x4], $0x20, s28, s16, $0xb8;
	[tilespmem:$0x1C200] =	vst v63  }
0x43: {  	s28 =	smov.u32 s26  }
0x44: {  	p0 =	sne.s32 s26, $0xFFFFF000;
	s26 =	sadd.s32 $0x1000, s26;
	_ =	swait.ge [sflag:s24], $0x4000  }
0x45: {  	s28 =	sshra.s32 s28, $0x2;
	[sflag:s24] =	ssyncset.done $0x0  }
0x46: {  	s29 =	sadd.s32 $0x5200, s28;
	[sflag:s24] =	ssyncadd.s32 $0xFFFFC000  }
0x47: {  	[tilespmem:s18], [sflag:$0x2] =	stream.indirect.gather [spmem:s2], $0x20, s29, s16, $0xb8;
	[tilespmem:$0x1C200] =	vst v63  }
0x48: {  	_ =	swait.ge [sflag:s19], $0x4000  }
0x49: {  	[sflag:s19] =	ssyncset.done $0x0  }
0x4a: {  	s29 =	sadd.s32 $0xA200, s28;
	[sflag:s19] =	ssyncadd.s32 $0xFFFFC000  }
0x4b: {  	[spmem:s3] =	stream.indirect.scatter.add.f32 [tilespmem:s17], [sflag:$0x3], $0x20, s29, s16, $0xb8;
	[tilespmem:$0x1C200] =	vst v63  }
0x4c: {  	_ =	swait.ge [sflag:s20], $0x4000  }
0x4d: {  	[sflag:s20] =	ssyncset.done $0x0  }
.Ltmp0:
0x4e: {  	s29 =	sadd.s32 $0x5400, s28;
	[sflag:s20] =	ssyncadd.s32 $0xFFFFC000;
	(pc) =	sbr.rel @p0 .LBB2_2-.Ltmp0, $4  }
0x4f: {  	[tilespmem:s17], [sflag:$0x1] =	stream.indirect.gather [spmem:s2], $0x20, s29, s16, $0xb8;
	[tilespmem:$0x1C200] =	vst v63  }
0x50: {  	_ =	swait.ge [sflag:s22], $0x4000  }
0x51: {  	[sflag:s22] =	ssyncset.done $0x0  }
0x52: {  	s28 =	sadd.s32 $0xA400, s28;
	[sflag:s22] =	ssyncadd.s32 $0xFFFFC000  }
0x53: {  	[spmem:s3] =	stream.indirect.scatter.add.f32 [tilespmem:s18], [sflag:$0x4], $0x20, s28, s16, $0xb8;
	[tilespmem:$0x1C200] =	vst v63  }
0x54: {  	_ =	swait.ge [sflag:s19], $0x4000  }
0x55: {  	[sflag:s19] =	ssyncset.done $0x0  }
0x56: {  	[sflag:s19] =	ssyncadd.s32 $0xFFFFC000  }
0x57: {  	_ =	swait.ge [sflag:s24], $0x4000  }
0x58: {  	s25 =	sadd.s32 $0x1, s25;
	[sflag:s24] =	ssyncset.done $0x0  }
0x59: {  	p0 =	sne.s32 s25, s11;
	[sflag:s24] =	ssyncadd.s32 $0xFFFFC000  }
.Ltmp1:
0x5a: {  	[bflag:$0x0] =	sbarrier.arrive $0xFFFF;
	(pc) =	sbr.rel @p0 .LBB2_1-.Ltmp1, $4  }
0x5b: {  	[hbm:s10], [sflag:s6] =	dma.local [spmem:s14], $0xA00  }
0x5c: {  	_ =	swait.ge [sflag:s13], $0xA00  }
0x5d: {  	[sflag:s13] =	ssyncset.done $0x0  }
0x5e: {  	[sflag:s13] =	ssyncadd.s32 $0xFFFFF600  }
0x5f: {  	_ =	sfence.sel $0x180000  }
0x60: {  	[bflag:$0x0] =	sbarrier.arrive $0xFFFF  }
0x61: {  	p0 =	sne.s32 s1, $0x0;
	_ =	strace $0x9000004A  }
0x62: {  	s0 =	sadd.s32 @!p0 $0x100000, s0;
	[bflag:$0x2] =	sbarrier.arrive $0xFFFF  }
0x63: {  	[sflag:s0] =	ssyncadd.tile.s32 @!p0 $0x1;
	_ =	shalt  }
.Lfunc_end2:
_tile_overlayer_lowered:
.L_overlay_start_2:
0x64: {  	(tag) =	ssettag $0x2  }
0x65: {  	s0 =	rddreg [dreg:$0x0];
	s2 =	stileid.u32  }
0x66: {  	s1 =	rddreg [dreg:$0x1];
	p0 =	sne.s32 s2, $0x0  }
0x67: {  	s3 =	rddreg [dreg:$0x2];
	[bflag:$0x3] =	sbarrier.arrive $0xFFFF;
	s2 =	simm.s32 @!p0 $0x1C05  }
0x68: {  	[timem:s3], [sflag:s2] =	dma.local @!p0 [hbm:s0], s1  }
0x69: {  	s0 =	simm.s32 @!p0 $0x5  }
0x6a: {  	_ =	swait.ge @!p0 [sflag:s0], s1  }
0x6b: {  	s1 =	ssub.s32 @!p0 $0x0, s1;
	[sflag:s0] =	ssyncset.done @!p0 $0x0  }
0x6c: {  	[sflag:s0] =	ssyncadd.s32 @!p0 s1  }
0x6d: {  	[bflag:$0x3] =	sbarrier.arrive $0xFFFF  }
0x6e: {  	_ =	shalt  }

// kernel: kernel.14.cloned.1.call-start
scs
__scs_entry_jumppad:
0x0: {  	(pc) =	sbr.rel $0x88, $3  }
0x1: {  	(tag) =	ssettag $0x0;
	lr =	simm.s32 $0x1  }
0x2: {  	[smem:$0x3F96] =	sst lr;
	_ =	strace $0xD0000000  }
0x3: {  	_ = 	snop  }
0x4: {  	_ = 	snop  }
0x5: {  	_ = 	snop  }
0x6: {  	_ = 	snop  }
0x7: {  	_ = 	snop  }
__scs_overlays_trampoline_lowered:
0x8: {  	[smem:$0x3FA5] =	sst s0  }
0x9: {  	[smem:$0x3FA6] =	sst s1  }
0xa: {  	[smem:$0x3FA7] =	sst s2  }
0xb: {  	[smem:$0x3FA8] =	sst s3  }
0xc: {  	[smem:$0x3FA9] =	sst s4  }
0xd: {  	[smem:$0x3FAA] =	sst s5  }
0xe: {  	[smem:$0x3FAB] =	sst s6  }
0xf: {  	[smem:$0x3FAC] =	sst s7  }
0x10: {  	[smem:$0x3FAD] =	sst s8  }
0x11: {  	[smem:$0x3FAE] =	sst s9;
	s0 =	simm.s32 @!p0 $0x0  }
0x12: {  	s1 =	sld [smem:$0x3F94];
	s0 =	simm.s32 @p0 $0x1  }
0x13: {  	[smem:$0x3FAF] =	sst s0;
	s0 =	simm.s32 @!p1 $0x0  }
0x14: {  	s2 =	sld [smem:$0x3F93];
	s0 =	simm.s32 @p1 $0x1  }
0x15: {  	[smem:$0x3FB0] =	sst s0;
	s0 =	simm.s32 @!p2 $0x0  }
0x16: {  	s3 =	sld [smem:$0x3FDB];
	s0 =	simm.s32 @p2 $0x1  }
0x17: {  	s4 =	simm.s32 $0x1BF5;
	[smem:$0x3FB2] =	sst s0  }
0x18: {  	s0 =	sld [smem:$0x3F95];
	_ =	swait.ge [sflag:s4], $0x0  }
0x19: {  	s7 =	sld [smem:$0x3F96]  }
0x1a: {  	s8 =	sadd.s32 $0xFFFFE003, lr  }
0x1b: {  	s9 =	sadd.s32 $0xFFFFFEF7, lr;
	s5 =	simm.s32 $0xFFFFFFFF;
	p2 =	slt.u32 s8, $0xFFFFF086  }
0x1c: {  	p1 =	slt.u32 s9, $0xF7A;
	s5 =	simm.s32 @!p2 $0x0  }
0x1d: {  	s5 =	simm.s32 @p1 $0x1;
	p0 =	seq.s32 s7, s2  }
0x1e: {  	s7 =	smul.u32 @!p0 $0xF7A, s2;
	p2 =	seq.s32 @!p0 s5, $0x0  }
0x1f: {  	s9 =	smul.u32 $0xF7A, s1;
	s8 =	simm.s32 @!p0 $0x1BF5;
	p2 =	por !p2, p0  }
0x20: {  	[sflag:s8] =	ssyncset.s32 @!p0 $0xFFFFF086;
	s6 =	sadd.s32 @!p0 s3, s7;
	s7 =	simm.s32 @!p0 $0x108  }
0x21: {  	s3 =	sadd.s32 s3, s9;
	s6 =	sadd.s32 @!p0 $0x88, s6;
	s7 =	simm.s32 @p2 $0x1082  }
0x22: {  	[simem:s7], [sflag:s8] =	dma.local @!p0 [hbm:s6], $0xF7A  }
0x23: {  	s9 =	sor.u32 $0xD0000000, s2;
	s6 =	simm.s32 $0x108;
	_ =	swait.ge @!p0 [sflag:s8], $0x0  }
0x24: {  	s3 =	sadd.s32 $0x88, s3;
	s6 =	simm.s32 @!p1 $0x1082;
	[sflag:s4] =	ssyncset.s32 $0xFFFFF086  }
0x25: {  	[simem:s6], [sflag:s4] =	dma.local [hbm:s3], $0xF7A  }
0x26: {  	[smem:$0x3F96] =	sst s1;
	(tag) =	ssettag s2;
	_ =	strace s9  }
0x27: {  	s1 =	sld [smem:$0x3FA6]  }
0x28: {  	s2 =	sld [smem:$0x3FA7]  }
0x29: {  	s4 =	sld [smem:$0x3FA9]  }
0x2a: {  	p0 =	seq.s32 s5, $0x0;
	s5 =	sld [smem:$0x3FAA]  }
0x2b: {  	s6 =	sld [smem:$0x3FAB]  }
0x2c: {  	s7 =	sld [smem:$0x3FAC]  }
0x2d: {  	s3 =	simm.s32 $0x108;
	s8 =	sld [smem:$0x3FAD]  }
0x2e: {  	s3 =	simm.s32 @!p0 $0x1082;
	s9 =	sld [smem:$0x3FAE]  }
0x2f: {  	lr =	sadd.s32 s0, s3;
	s0 =	sld [smem:$0x3FA5]  }
0x30: {  	s3 =	sld [smem:$0x3FA8]  }
0x31: {  	[smem:$0x3FB1] =	sst s10  }
0x32: {  	s10 =	sld [smem:$0x3FAF];
	_ =	sdelay $0x3  }
0x33: {  	p0 =	seq.s32 s10, $0x1;
	s10 =	sld [smem:$0x3FB1];
	_ =	sdelay $0x3  }
0x34: {  	[smem:$0x3FB1] =	sst s10  }
0x35: {  	s10 =	sld [smem:$0x3FB0];
	_ =	sdelay $0x3  }
0x36: {  	p1 =	seq.s32 s10, $0x1;
	s10 =	sld [smem:$0x3FB1];
	_ =	sdelay $0x3  }
0x37: {  	[smem:$0x3FB1] =	sst s10  }
0x38: {  	s10 =	sld [smem:$0x3FB2]  }
0x39: {  	_ = 	snop;
	(pc) =	sbr.ind lr, $3  }
0x3a: {  	_ = 	snop  }
0x3b: {  	_ = 	snop  }
0x3c: {  	p2 =	seq.s32 s10, $0x1;
	s10 =	sld [smem:$0x3FB1]  }
0x3d: {  	_ =	shalt  }
0x3e: {  	_ =	shalt  }
0x3f: {  	_ =	shalt  }
0x40: {  	_ =	shalt  }
0x41: {  	_ =	shalt  }
0x42: {  	_ =	shalt  }
0x43: {  	_ =	shalt  }
0x44: {  	_ =	shalt  }
0x45: {  	_ =	shalt  }
0x46: {  	_ =	shalt  }
0x47: {  	_ =	shalt  }
0x48: {  	_ =	shalt  }
0x49: {  	_ =	shalt  }
0x4a: {  	_ =	shalt  }
0x4b: {  	_ =	shalt  }
0x4c: {  	_ =	shalt  }
0x4d: {  	_ =	shalt  }
0x4e: {  	_ =	shalt  }
0x4f: {  	_ =	shalt  }
0x50: {  	_ =	shalt  }
0x51: {  	_ =	shalt  }
0x52: {  	_ =	shalt  }
0x53: {  	_ =	shalt  }
0x54: {  	_ =	shalt  }
0x55: {  	_ =	shalt  }
0x56: {  	_ =	shalt  }
0x57: {  	_ =	shalt  }
0x58: {  	_ =	shalt  }
0x59: {  	_ =	shalt  }
0x5a: {  	_ =	shalt  }
0x5b: {  	_ =	shalt  }
0x5c: {  	_ =	shalt  }
0x5d: {  	_ =	shalt  }
0x5e: {  	_ =	shalt  }
0x5f: {  	_ =	shalt  }
0x60: {  	_ =	shalt  }
0x61: {  	_ =	shalt  }
0x62: {  	_ =	shalt  }
0x63: {  	_ =	shalt  }
0x64: {  	_ =	shalt  }
0x65: {  	_ =	shalt  }
0x66: {  	_ =	shalt  }
0x67: {  	_ =	shalt  }
0x68: {  	_ =	shalt  }
0x69: {  	_ =	shalt  }
0x6a: {  	_ =	shalt  }
0x6b: {  	_ =	shalt  }
0x6c: {  	_ =	shalt  }
0x6d: {  	_ =	shalt  }
0x6e: {  	_ =	shalt  }
0x6f: {  	_ =	shalt  }
0x70: {  	_ =	shalt  }
0x71: {  	_ =	shalt  }
0x72: {  	_ =	shalt  }
0x73: {  	_ =	shalt  }
0x74: {  	_ =	shalt  }
0x75: {  	_ =	shalt  }
0x76: {  	_ =	shalt  }
0x77: {  	_ =	shalt  }
0x78: {  	_ =	shalt  }
0x79: {  	_ =	shalt  }
0x7a: {  	_ =	shalt  }
0x7b: {  	_ =	shalt  }
0x7c: {  	_ =	shalt  }
0x7d: {  	_ =	shalt  }
0x7e: {  	_ =	shalt  }
0x7f: {  	_ =	shalt  }
0x80: {  	_ =	shalt  }
0x81: {  	_ =	shalt  }
0x82: {  	_ =	shalt  }
0x83: {  	_ =	shalt  }
0x84: {  	_ =	shalt  }
0x85: {  	_ =	shalt  }
0x86: {  	_ =	shalt  }
0x87: {  	_ =	shalt  }
.Lfunc_end0:
.L_simem_size_0:
called_computation.2_lowered:
.L_overlay_start_0:
0x88: {  	s2 =	sld [smem:$0x3FD9]  }
0x89: {  	s3 =	sld [smem:$0x3FFE];
	_ =	sdelay $0x1  }
0x8a: {  	s1 =	srdreg.scid  }
0x8b: {  	s0 =	sand.u32 $0x1, s1  }
0x8c: {  	s16 =	sshll.u32 s0, $0xA;
	s2 =	sadd.s32 s3, s2  }
0x8d: {  	s2 =	sadd.s32 s2, s16  }
0x8e: {  	[smem:$0x3FBD] =	sst s2  }
0x8f: {  	_ = 	snop  }
0x90: {  	(tm) =	ssettm $0x1  }
0x91: {  	s17 =	sld [smem:$0x3FFB];
	_ =	sdelay $0x3  }
0x92: {  	_ =	strace s17  }
0x93: {  	s2 =	sld [smem:$0x3FFC];
	_ =	sdelay $0x3  }
0x94: {  	_ =	strace s2  }
0x95: {  	s2 =	sld [smem:$0x3FFD];
	_ =	sdelay $0x3  }
0x96: {  	_ =	strace s2  }
0x97: {  	_ =	strace $0x8FFFFFFF  }
0x98: {  	s18 =	sld [smem:$0x3FDB];
	_ =	sdelay $0x1  }
0x99: {  	s19 =	simm.s32 $_scs_section_size  }
0x9a: {  	s4 =	simm.s32 $_size__tile_overlayer_lowered;
	s5 =	simm.s32 $_tile_overlayer_lowered  }
0x9b: {  	s22 =	simm.s32 $0x1BFF;
	s21 =	sshll.u32 s5, $0x1;
	s2 =	sadd.s32 s19, s18  }
0x9c: {  	s6 =	simm.s32 $0x0;
	s20 =	sshll.u32 s4, $0x1;
	s4 =	sadd.s32 s21, s2  }
0x9d: {  	[timem:s6], [sflag:s22] =	dma.local [hbm:s4], s20  }
0x9e: {  	_ =	swait.ge [sflag:s22], s20  }
0x9f: {  	s3 =	ssub.s32 $0x0, s20;
	[sflag:s22] =	ssyncset.done $0x0  }
0xa0: {  	[sflag:s22] =	ssyncadd.s32 s3;
	_ =	sdelay $0x1  }
0xa1: {  	s23 =	simm.s32 $0x1B8B  }
0xa2: {  	_ =	swait.ge [sflag:s23], $0x1  }
0xa3: {  	[sflag:s23] =	ssyncset.done $0x0  }
0xa4: {  	s25 =	simm.s32 $0x1B8E;
	s24 =	sld [smem:$0x3FFE];
	[sflag:s23] =	ssyncadd.s32 $0xFFFFFFFF  }
0xa5: {  	s26 =	simm.s32 $execute0_lowered;
	[smem:$0x3FD2] =	sst s25  }
0xa6: {  	s4 =	sshll.u32 s26, $0x1;
	_ =	strace $0x8000004C;
	[dreg:$0x1] =	wrdreg $0xFFFFFFFF  }
0xa7: {  	s28 =	simm.s32 $_size_execute0_lowered;
	s2 =	sadd.s32 s2, s4;
	[dreg:$0x0] =	wrdreg $0x0  }
0xa8: {  	s4 =	sshll.u32 s28, $0x1;
	[dreg:$0x2] =	wrdreg s2  }
0xa9: {  	[dreg:$0x3] =	wrdreg s4  }
0xaa: {  	[dreg:$0x4] =	wrdreg $0xC0  }
0xab: {  	_ =	task [dreg:s6], $0x5FFFF  }
0xac: {  	[dreg:$0x1] =	wrdreg $0xFFFFFFFF  }
0xad: {  	[dreg:$0x0] =	wrdreg $0x60  }
0xae: {  	[dreg:$0x2] =	wrdreg s24  }
0xaf: {  	[dreg:$0x3] =	wrdreg $0x122000  }
0xb0: {  	[dreg:$0x4] =	wrdreg $0x172000  }
0xb1: {  	[dreg:$0x5] =	wrdreg $0x9  }
0xb2: {  	_ =	task.clear_ibuf [dreg:s6], $0x6FFFF;
	_ =	strace $0x9000004C  }
0xb3: {  	s29 =	simm.s32 $0x9;
	_ =	strace $0x8000004E  }
0xb4: {  	_ =	swait.ge [sflag:s29], $0x1  }
0xb5: {  	[sflag:s29] =	ssyncadd.s32 $0xFFFFFFFF  }
0xb6: {  	_ =	strace $0x9000004E  }
0xb7: {  	_ =	sfence  }
0xb8: {  	s30 =	sld [smem:$0x0];
	_ =	sdelay $0x2  }
0xb9: {  	s31 =	sshll.u32 s1, $0xD;
	s1 =	sshrl.u32 s1, $0x2  }
0xba: {  	s3 =	sand.u32 $0x4000, s31;
	s1 =	sadd.s32 s1, s30  }
0xbb: {  	s0 =	sor.u32 s3, s0;
	s1 =	sshll.u32 s1, $0x11  }
0xbc: {  	s0 =	sor.u32 s1, s0  }
0xbd: {  	s0 =	sadd.s32 $0x8F2B, s0  }
0xbe: {  	[sflag:s0] =	ssyncadd.remote.s32 $0x1  }
0xbf: {  	_ =	sfence.sel $0xFFFF  }
0xc0: {  	[dreg:$0x0] =	wrdreg $0xFFFFFFFF;
	(pc) =	sbr.abs _section_cstart, $3  }
0xc1: {  	[dreg:$0x1] =	wrdreg $0xFFFFFFFF  }
0xc2: {  	_ =	task.clear_ibuf [dreg:s6], $0x2FFFF;
	_ =	strace $0x9FFFFFFF  }
0xc3: {  	(tm) =	ssettm $0x7FFFFFFF  }
tec
execute0_lowered:
.L_overlay_start_1:
0x0: {  	(tag) =	ssettag $0x1  }
0x1: {  	s5 =	rddreg [dreg:$0x0]  }
0x2: {  	s2 =	rddreg [dreg:$0x1]  }
0x3: {  	s3 =	rddreg [dreg:$0x2];
	s1 =	stileid.u32  }
0x4: {  	s0 =	rddreg [dreg:$0x3];
	s8 =	srdreg.scid  }
0x5: {  	s4 =	simm.s32 $0x0;
	s17 =	simm.s32 $0xA200;
	s18 =	simm.s32 $0xE200  }
0x6: {  	s19 =	simm.s32 $0x1;
	s20 =	simm.s32 $0x3;
	s21 =	simm.s32 $0x400  }
0x7: {  	s22 =	simm.s32 $0x2;
	s23 =	simm.s32 $0x5400;
	s6 =	smul.u32 $0xA40, s1  }
0x8: {  	s24 =	simm.s32 $0x4;
	s25 =	simm.s32 $0x0;
	s7 =	smul.u32 $0xA00, s1  }
0x9: {  	s9 =	smul.u32 $0x5000, s1;
	s8 =	sand.u32 $0x1, s8;
	[smem:$0x7FF] =	sst s4  }
0xa: {  	s31 =	sshll.u32 s1, $0x6;
	s10 =	smul.u32 $0x50000, s8;
	_ =	strace $0x8000004D  }
0xb: {  	s28 =	ssub.s32 $0x2, s8;
	s11 =	sadd.s32 s6, s5;
	s12 =	sadd.s32 s7, s5  }
0xc: {  	s29 =	sshrl.u32 s9, $0x3;
	s30 =	sshrl.u32 s28, $0x1;
	s15 =	sadd.s32 s9, s2  }
0xd: {  	s16 =	sadd.s32 s9, s3;
	s26 =	sadd.s32 s9, s10;
	s8 =	sadd.s32 s29, s5  }
0xe: {  	s14 =	ssub.s32 s28, s30;
	s9 =	sadd.s32 $0x2E00, s12;
	s12 =	sshrl.u32 s15, $0x3  }
0xf: {  	s15 =	simm.s32 $0x5200;
	s6 =	sshrl.u32 s26, $0x3;
	s7 =	sadd.s32 $0xAAC00, s8  }
0x10: {  	s8 =	sadd.s32 $0x14800, s11;
	s11 =	smax.u32 s14, $0x1;
	s14 =	sshrl.u32 s16, $0x3  }
0x11: {  	s16 =	simm.s32 $0x200;
	s13 =	sadd.s32 s6, s5;
	s6 =	sor.u32 $0x1C05, s31  }
0x12: {  	s5 =	sadd.s32 $0x96C00, s13;
	s10 =	sadd.s32 $0xB4C00, s13;
	s13 =	simm.s32 $0x5  }
.LBB2_1:
0x13: {  	[spmem:s12], [sflag:s6] =	dma.local [hbm:s5], $0xA00  }
0x14: {  	_ =	swait.ge [sflag:s13], $0xA00  }
0x15: {  	[sflag:s13] =	ssyncset.done $0x0  }
0x16: {  	[sflag:s13] =	ssyncadd.s32 $0xFFFFF600  }
0x17: {  	[spmem:s14], [sflag:s6] =	dma.local [hbm:s7], $0xA00  }
0x18: {  	_ =	swait.ge [sflag:s13], $0xA00  }
0x19: {  	[sflag:s13] =	ssyncset.done $0x0  }
0x1a: {  	[sflag:s13] =	ssyncadd.s32 $0xFFFFF600  }
0x1b: {  	[tilespmem:s4], [sflag:$0x5] =	stream.linear.gather [hbm4b:s8+s4], $0x5200, $0x38;
	[tilespmem:$0x1C200] =	vst v63  }
0x1c: {  	_ =	swait.ge [sflag:s13], $0x5200  }
0x1d: {  	[sflag:s13] =	ssyncset.done $0x0  }
0x1e: {  	[sflag:s13] =	ssyncadd.s32 $0xFFFFAE00  }
0x1f: {  	[tilespmem:s15], [sflag:$0x5] =	stream.linear.gather [hbm4b:s9+s4], $0x5000, $0x38;
	[tilespmem:$0x1C200] =	vst v63  }
0x20: {  	_ =	swait.ge [sflag:s13], $0x5000  }
0x21: {  	[sflag:s13] =	ssyncset.done $0x0  }
0x22: {  	[sflag:s13] =	ssyncadd.s32 $0xFFFFB000  }
0x23: {  	[bflag:$0x0] =	sbarrier.arrive $0xFFFF  }
0x24: {  	[tilespmem:s17], [sflag:$0x1] =	stream.indirect.gather [spmem:s2], $0x20, s4, s16, $0xb8;
	[tilespmem:$0x1C200] =	vst v63  }
0x25: {  	_ = 	snop  }
0x26: {  	[tilespmem:s18], [sflag:$0x2] =	stream.indirect.gather [spmem:s2], $0x20, s16, s16, $0xb8;
	[tilespmem:$0x1C200] =	vst v63  }
0x27: {  	_ =	swait.ge [sflag:s19], $0x4000  }
0x28: {  	[sflag:s19] =	ssyncset.done $0x0  }
0x29: {  	[sflag:s19] =	ssyncadd.s32 $0xFFFFC000  }
0x2a: {  	[spmem:s3] =	stream.indirect.scatter.add.f32 [tilespmem:s17], [sflag:$0x3], $0x20, s15, s16, $0xb8;
	[tilespmem:$0x1C200] =	vst v63  }
0x2b: {  	_ =	swait.ge [sflag:s20], $0x4000  }
0x2c: {  	[sflag:s20] =	ssyncset.done $0x0  }
0x2d: {  	[sflag:s20] =	ssyncadd.s32 $0xFFFFC000  }
0x2e: {  	[tilespmem:s17], [sflag:$0x1] =	stream.indirect.gather [spmem:s2], $0x20, s21, s16, $0xb8;
	[tilespmem:$0x1C200] =	vst v63  }
0x2f: {  	_ =	swait.ge [sflag:s22], $0x4000  }
0x30: {  	[sflag:s22] =	ssyncset.done $0x0  }
0x31: {  	[sflag:s22] =	ssyncadd.s32 $0xFFFFC000  }
0x32: {  	[spmem:s3] =	stream.indirect.scatter.add.f32 [tilespmem:s18], [sflag:$0x4], $0x20, s23, s16, $0xb8;
	[tilespmem:$0x1C200] =	vst v63  }
0x33: {  	_ =	swait.ge [sflag:s24], $0x4000  }
0x34: {  	[sflag:s24] =	ssyncset.done $0x0  }
0x35: {  	s26 =	simm.s32 $0x600;
	[sflag:s24] =	ssyncadd.s32 $0xFFFFC000  }
0x36: {  	[tilespmem:s18], [sflag:$0x2] =	stream.indirect.gather [spmem:s2], $0x20, s26, s16, $0xb8;
	[tilespmem:$0x1C200] =	vst v63  }
0x37: {  	_ =	swait.ge [sflag:s19], $0x4000  }
0x38: {  	[sflag:s19] =	ssyncset.done $0x0  }
0x39: {  	s30 =	simm.s32 $0x5600;
	[sflag:s19] =	ssyncadd.s32 $0xFFFFC000  }
0x3a: {  	[spmem:s3] =	stream.indirect.scatter.add.f32 [tilespmem:s17], [sflag:$0x3], $0x20, s30, s16, $0xb8;
	[tilespmem:$0x1C200] =	vst v63  }
0x3b: {  	_ =	swait.ge [sflag:s20], $0x4000  }
0x3c: {  	[sflag:s20] =	ssyncset.done $0x0  }
0x3d: {  	s31 =	simm.s32 $0x800;
	[sflag:s20] =	ssyncadd.s32 $0xFFFFC000  }
0x3e: {  	[tilespmem:s17], [sflag:$0x1] =	stream.indirect.gather [spmem:s2], $0x20, s31, s16, $0xb8;
	[tilespmem:$0x1C200] =	vst v63  }
0x3f: {  	_ =	swait.ge [sflag:s22], $0x4000  }
0x40: {  	[sflag:s22] =	ssyncset.done $0x0  }
0x41: {  	s28 =	simm.s32 $0x5800;
	s26 =	simm.s32 $0xFFFEE000;
	[sflag:s22] =	ssyncadd.s32 $0xFFFFC000  }
.LBB2_2:
0x42: {  	[spmem:s3] =	stream.indirect.scatter.add.f32 [tilespmem:s18], [sflag:$0x4], $0x20, s28, s16, $0xb8;
	[tilespmem:$0x1C200] =	vst v63  }
0x43: {  	s28 =	smov.u32 s26  }
0x44: {  	p0 =	sne.s32 s26, $0xFFFFF000;
	s26 =	sadd.s32 $0x1000, s26;
	_ =	swait.ge [sflag:s24], $0x4000  }
0x45: {  	s28 =	sshra.s32 s28, $0x2;
	[sflag:s24] =	ssyncset.done $0x0  }
0x46: {  	s29 =	sadd.s32 $0x5200, s28;
	[sflag:s24] =	ssyncadd.s32 $0xFFFFC000  }
0x47: {  	[tilespmem:s18], [sflag:$0x2] =	stream.indirect.gather [spmem:s2], $0x20, s29, s16, $0xb8;
	[tilespmem:$0x1C200] =	vst v63  }
0x48: {  	_ =	swait.ge [sflag:s19], $0x4000  }
0x49: {  	[sflag:s19] =	ssyncset.done $0x0  }
0x4a: {  	s29 =	sadd.s32 $0xA200, s28;
	[sflag:s19] =	ssyncadd.s32 $0xFFFFC000  }
0x4b: {  	[spmem:s3] =	stream.indirect.scatter.add.f32 [tilespmem:s17], [sflag:$0x3], $0x20, s29, s16, $0xb8;
	[tilespmem:$0x1C200] =	vst v63  }
0x4c: {  	_ =	swait.ge [sflag:s20], $0x4000  }
0x4d: {  	[sflag:s20] =	ssyncset.done $0x0  }
.Ltmp0:
0x4e: {  	s29 =	sadd.s32 $0x5400, s28;
	[sflag:s20] =	ssyncadd.s32 $0xFFFFC000;
	(pc) =	sbr.rel @p0 .LBB2_2-.Ltmp0, $4  }
0x4f: {  	[tilespmem:s17], [sflag:$0x1] =	stream.indirect.gather [spmem:s2], $0x20, s29, s16, $0xb8;
	[tilespmem:$0x1C200] =	vst v63  }
0x50: {  	_ =	swait.ge [sflag:s22], $0x4000  }
0x51: {  	[sflag:s22] =	ssyncset.done $0x0  }
0x52: {  	s28 =	sadd.s32 $0xA400, s28;
	[sflag:s22] =	ssyncadd.s32 $0xFFFFC000  }
0x53: {  	[spmem:s3] =	stream.indirect.scatter.add.f32 [tilespmem:s18], [sflag:$0x4], $0x20, s28, s16, $0xb8;
	[tilespmem:$0x1C200] =	vst v63  }
0x54: {  	_ =	swait.ge [sflag:s19], $0x4000  }
0x55: {  	[sflag:s19] =	ssyncset.done $0x0  }
0x56: {  	[sflag:s19] =	ssyncadd.s32 $0xFFFFC000  }
0x57: {  	_ =	swait.ge [sflag:s24], $0x4000  }
0x58: {  	s25 =	sadd.s32 $0x1, s25;
	[sflag:s24] =	ssyncset.done $0x0  }
0x59: {  	p0 =	sne.s32 s25, s11;
	[sflag:s24] =	ssyncadd.s32 $0xFFFFC000  }
.Ltmp1:
0x5a: {  	[bflag:$0x0] =	sbarrier.arrive $0xFFFF;
	(pc) =	sbr.rel @p0 .LBB2_1-.Ltmp1, $4  }
0x5b: {  	[hbm:s10], [sflag:s6] =	dma.local [spmem:s14], $0xA00  }
0x5c: {  	_ =	swait.ge [sflag:s13], $0xA00  }
0x5d: {  	[sflag:s13] =	ssyncset.done $0x0  }
0x5e: {  	[sflag:s13] =	ssyncadd.s32 $0xFFFFF600  }
0x5f: {  	_ =	sfence.sel $0x180000  }
0x60: {  	[bflag:$0x0] =	sbarrier.arrive $0xFFFF  }
0x61: {  	p0 =	sne.s32 s1, $0x0;
	_ =	strace $0x9000004D  }
0x62: {  	s0 =	sadd.s32 @!p0 $0x100000, s0;
	[bflag:$0x2] =	sbarrier.arrive $0xFFFF  }
0x63: {  	[sflag:s0] =	ssyncadd.tile.s32 @!p0 $0x1;
	_ =	shalt  }
.Lfunc_end2:
_tile_overlayer_lowered:
.L_overlay_start_2:
0x64: {  	(tag) =	ssettag $0x2  }
0x65: {  	s0 =	rddreg [dreg:$0x0];
	s2 =	stileid.u32  }
0x66: {  	s1 =	rddreg [dreg:$0x1];
	p0 =	sne.s32 s2, $0x0  }
0x67: {  	s3 =	rddreg [dreg:$0x2];
	[bflag:$0x3] =	sbarrier.arrive $0xFFFF;
	s2 =	simm.s32 @!p0 $0x1C05  }
0x68: {  	[timem:s3], [sflag:s2] =	dma.local @!p0 [hbm:s0], s1  }
0x69: {  	s0 =	simm.s32 @!p0 $0x5  }
0x6a: {  	_ =	swait.ge @!p0 [sflag:s0], s1  }
0x6b: {  	s1 =	ssub.s32 @!p0 $0x0, s1;
	[sflag:s0] =	ssyncset.done @!p0 $0x0  }
0x6c: {  	[sflag:s0] =	ssyncadd.s32 @!p0 s1  }
0x6d: {  	[bflag:$0x3] =	sbarrier.arrive $0xFFFF  }
0x6e: {  	_ =	shalt  }

// kernel: kernel.8.cloned.1.call-start
scs
__scs_entry_jumppad:
0x0: {  	(pc) =	sbr.rel $0x88, $3  }
0x1: {  	(tag) =	ssettag $0x0;
	lr =	simm.s32 $0x1  }
0x2: {  	[smem:$0x3F96] =	sst lr;
	_ =	strace $0xD0000000  }
0x3: {  	_ = 	snop  }
0x4: {  	_ = 	snop  }
0x5: {  	_ = 	snop  }
0x6: {  	_ = 	snop  }
0x7: {  	_ = 	snop  }
__scs_overlays_trampoline_lowered:
0x8: {  	[smem:$0x3FA5] =	sst s0  }
0x9: {  	[smem:$0x3FA6] =	sst s1  }
0xa: {  	[smem:$0x3FA7] =	sst s2  }
0xb: {  	[smem:$0x3FA8] =	sst s3  }
0xc: {  	[smem:$0x3FA9] =	sst s4  }
0xd: {  	[smem:$0x3FAA] =	sst s5  }
0xe: {  	[smem:$0x3FAB] =	sst s6  }
0xf: {  	[smem:$0x3FAC] =	sst s7  }
0x10: {  	[smem:$0x3FAD] =	sst s8  }
0x11: {  	[smem:$0x3FAE] =	sst s9;
	s0 =	simm.s32 @!p0 $0x0  }
0x12: {  	s1 =	sld [smem:$0x3F94];
	s0 =	simm.s32 @p0 $0x1  }
0x13: {  	[smem:$0x3FAF] =	sst s0;
	s0 =	simm.s32 @!p1 $0x0  }
0x14: {  	s2 =	sld [smem:$0x3F93];
	s0 =	simm.s32 @p1 $0x1  }
0x15: {  	[smem:$0x3FB0] =	sst s0;
	s0 =	simm.s32 @!p2 $0x0  }
0x16: {  	s3 =	sld [smem:$0x3FDB];
	s0 =	simm.s32 @p2 $0x1  }
0x17: {  	s4 =	simm.s32 $0x1BF5;
	[smem:$0x3FB2] =	sst s0  }
0x18: {  	s0 =	sld [smem:$0x3F95];
	_ =	swait.ge [sflag:s4], $0x0  }
0x19: {  	s7 =	sld [smem:$0x3F96]  }
0x1a: {  	s8 =	sadd.s32 $0xFFFFE003, lr  }
0x1b: {  	s9 =	sadd.s32 $0xFFFFFEF7, lr;
	s5 =	simm.s32 $0xFFFFFFFF;
	p2 =	slt.u32 s8, $0xFFFFF086  }
0x1c: {  	p1 =	slt.u32 s9, $0xF7A;
	s5 =	simm.s32 @!p2 $0x0  }
0x1d: {  	s5 =	simm.s32 @p1 $0x1;
	p0 =	seq.s32 s7, s2  }
0x1e: {  	s7 =	smul.u32 @!p0 $0xF7A, s2;
	p2 =	seq.s32 @!p0 s5, $0x0  }
0x1f: {  	s9 =	smul.u32 $0xF7A, s1;
	s8 =	simm.s32 @!p0 $0x1BF5;
	p2 =	por !p2, p0  }
0x20: {  	[sflag:s8] =	ssyncset.s32 @!p0 $0xFFFFF086;
	s6 =	sadd.s32 @!p0 s3, s7;
	s7 =	simm.s32 @!p0 $0x108  }
0x21: {  	s3 =	sadd.s32 s3, s9;
	s6 =	sadd.s32 @!p0 $0x88, s6;
	s7 =	simm.s32 @p2 $0x1082  }
0x22: {  	[simem:s7], [sflag:s8] =	dma.local @!p0 [hbm:s6], $0xF7A  }
0x23: {  	s9 =	sor.u32 $0xD0000000, s2;
	s6 =	simm.s32 $0x108;
	_ =	swait.ge @!p0 [sflag:s8], $0x0  }
0x24: {  	s3 =	sadd.s32 $0x88, s3;
	s6 =	simm.s32 @!p1 $0x1082;
	[sflag:s4] =	ssyncset.s32 $0xFFFFF086  }
0x25: {  	[simem:s6], [sflag:s4] =	dma.local [hbm:s3], $0xF7A  }
0x26: {  	[smem:$0x3F96] =	sst s1;
	(tag) =	ssettag s2;
	_ =	strace s9  }
0x27: {  	s1 =	sld [smem:$0x3FA6]  }
0x28: {  	s2 =	sld [smem:$0x3FA7]  }
0x29: {  	s4 =	sld [smem:$0x3FA9]  }
0x2a: {  	p0 =	seq.s32 s5, $0x0;
	s5 =	sld [smem:$0x3FAA]  }
0x2b: {  	s6 =	sld [smem:$0x3FAB]  }
0x2c: {  	s7 =	sld [smem:$0x3FAC]  }
0x2d: {  	s3 =	simm.s32 $0x108;
	s8 =	sld [smem:$0x3FAD]  }
0x2e: {  	s3 =	simm.s32 @!p0 $0x1082;
	s9 =	sld [smem:$0x3FAE]  }
0x2f: {  	lr =	sadd.s32 s0, s3;
	s0 =	sld [smem:$0x3FA5]  }
0x30: {  	s3 =	sld [smem:$0x3FA8]  }
0x31: {  	[smem:$0x3FB1] =	sst s10  }
0x32: {  	s10 =	sld [smem:$0x3FAF];
	_ =	sdelay $0x3  }
0x33: {  	p0 =	seq.s32 s10, $0x1;
	s10 =	sld [smem:$0x3FB1];
	_ =	sdelay $0x3  }
0x34: {  	[smem:$0x3FB1] =	sst s10  }
0x35: {  	s10 =	sld [smem:$0x3FB0];
	_ =	sdelay $0x3  }
0x36: {  	p1 =	seq.s32 s10, $0x1;
	s10 =	sld [smem:$0x3FB1];
	_ =	sdelay $0x3  }
0x37: {  	[smem:$0x3FB1] =	sst s10  }
0x38: {  	s10 =	sld [smem:$0x3FB2]  }
0x39: {  	_ = 	snop;
	(pc) =	sbr.ind lr, $3  }
0x3a: {  	_ = 	snop  }
0x3b: {  	_ = 	snop  }
0x3c: {  	p2 =	seq.s32 s10, $0x1;
	s10 =	sld [smem:$0x3FB1]  }
0x3d: {  	_ =	shalt  }
0x3e: {  	_ =	shalt  }
0x3f: {  	_ =	shalt  }
0x40: {  	_ =	shalt  }
0x41: {  	_ =	shalt  }
0x42: {  	_ =	shalt  }
0x43: {  	_ =	shalt  }
0x44: {  	_ =	shalt  }
0x45: {  	_ =	shalt  }
0x46: {  	_ =	shalt  }
0x47: {  	_ =	shalt  }
0x48: {  	_ =	shalt  }
0x49: {  	_ =	shalt  }
0x4a: {  	_ =	shalt  }
0x4b: {  	_ =	shalt  }
0x4c: {  	_ =	shalt  }
0x4d: {  	_ =	shalt  }
0x4e: {  	_ =	shalt  }
0x4f: {  	_ =	shalt  }
0x50: {  	_ =	shalt  }
0x51: {  	_ =	shalt  }
0x52: {  	_ =	shalt  }
0x53: {  	_ =	shalt  }
0x54: {  	_ =	shalt  }
0x55: {  	_ =	shalt  }
0x56: {  	_ =	shalt  }
0x57: {  	_ =	shalt  }
0x58: {  	_ =	shalt  }
0x59: {  	_ =	shalt  }
0x5a: {  	_ =	shalt  }
0x5b: {  	_ =	shalt  }
0x5c: {  	_ =	shalt  }
0x5d: {  	_ =	shalt  }
0x5e: {  	_ =	shalt  }
0x5f: {  	_ =	shalt  }
0x60: {  	_ =	shalt  }
0x61: {  	_ =	shalt  }
0x62: {  	_ =	shalt  }
0x63: {  	_ =	shalt  }
0x64: {  	_ =	shalt  }
0x65: {  	_ =	shalt  }
0x66: {  	_ =	shalt  }
0x67: {  	_ =	shalt  }
0x68: {  	_ =	shalt  }
0x69: {  	_ =	shalt  }
0x6a: {  	_ =	shalt  }
0x6b: {  	_ =	shalt  }
0x6c: {  	_ =	shalt  }
0x6d: {  	_ =	shalt  }
0x6e: {  	_ =	shalt  }
0x6f: {  	_ =	shalt  }
0x70: {  	_ =	shalt  }
0x71: {  	_ =	shalt  }
0x72: {  	_ =	shalt  }
0x73: {  	_ =	shalt  }
0x74: {  	_ =	shalt  }
0x75: {  	_ =	shalt  }
0x76: {  	_ =	shalt  }
0x77: {  	_ =	shalt  }
0x78: {  	_ =	shalt  }
0x79: {  	_ =	shalt  }
0x7a: {  	_ =	shalt  }
0x7b: {  	_ =	shalt  }
0x7c: {  	_ =	shalt  }
0x7d: {  	_ =	shalt  }
0x7e: {  	_ =	shalt  }
0x7f: {  	_ =	shalt  }
0x80: {  	_ =	shalt  }
0x81: {  	_ =	shalt  }
0x82: {  	_ =	shalt  }
0x83: {  	_ =	shalt  }
0x84: {  	_ =	shalt  }
0x85: {  	_ =	shalt  }
0x86: {  	_ =	shalt  }
0x87: {  	_ =	shalt  }
.Lfunc_end0:
.L_simem_size_0:
called_computation_lowered:
.L_overlay_start_0:
0x88: {  	s2 =	sld [smem:$0x3FD9]  }
0x89: {  	s3 =	sld [smem:$0x3FFE];
	_ =	sdelay $0x1  }
0x8a: {  	s1 =	srdreg.scid  }
0x8b: {  	s0 =	sand.u32 $0x1, s1  }
0x8c: {  	s16 =	sshll.u32 s0, $0xA;
	s2 =	sadd.s32 s3, s2  }
0x8d: {  	s2 =	sadd.s32 s2, s16  }
0x8e: {  	[smem:$0x3FBD] =	sst s2  }
0x8f: {  	_ = 	snop  }
0x90: {  	(tm) =	ssettm $0x1  }
0x91: {  	s17 =	sld [smem:$0x3FFB];
	_ =	sdelay $0x3  }
0x92: {  	_ =	strace s17  }
0x93: {  	s2 =	sld [smem:$0x3FFC];
	_ =	sdelay $0x3  }
0x94: {  	_ =	strace s2  }
0x95: {  	s2 =	sld [smem:$0x3FFD];
	_ =	sdelay $0x3  }
0x96: {  	_ =	strace s2  }
0x97: {  	_ =	strace $0x8FFFFFFF  }
0x98: {  	s18 =	sld [smem:$0x3FDB];
	_ =	sdelay $0x1  }
0x99: {  	s19 =	simm.s32 $_scs_section_size  }
0x9a: {  	s4 =	simm.s32 $_size__tile_overlayer_lowered;
	s5 =	simm.s32 $_tile_overlayer_lowered  }
0x9b: {  	s22 =	simm.s32 $0x1BFF;
	s21 =	sshll.u32 s5, $0x1;
	s2 =	sadd.s32 s19, s18  }
0x9c: {  	s6 =	simm.s32 $0x0;
	s20 =	sshll.u32 s4, $0x1;
	s4 =	sadd.s32 s21, s2  }
0x9d: {  	[timem:s6], [sflag:s22] =	dma.local [hbm:s4], s20  }
0x9e: {  	_ =	swait.ge [sflag:s22], s20  }
0x9f: {  	s3 =	ssub.s32 $0x0, s20;
	[sflag:s22] =	ssyncset.done $0x0  }
0xa0: {  	[sflag:s22] =	ssyncadd.s32 s3;
	_ =	sdelay $0x1  }
0xa1: {  	s23 =	simm.s32 $0x1B8B  }
0xa2: {  	_ =	swait.ge [sflag:s23], $0x1  }
0xa3: {  	[sflag:s23] =	ssyncset.done $0x0  }
0xa4: {  	s25 =	simm.s32 $0x1B8E;
	s24 =	sld [smem:$0x3FFE];
	[sflag:s23] =	ssyncadd.s32 $0xFFFFFFFF  }
0xa5: {  	s26 =	simm.s32 $execute0_lowered;
	[smem:$0x3FD2] =	sst s25  }
0xa6: {  	s4 =	sshll.u32 s26, $0x1;
	_ =	strace $0x80000046;
	[dreg:$0x1] =	wrdreg $0xFFFFFFFF  }
0xa7: {  	s28 =	simm.s32 $_size_execute0_lowered;
	s2 =	sadd.s32 s2, s4;
	[dreg:$0x0] =	wrdreg $0x0  }
0xa8: {  	s4 =	sshll.u32 s28, $0x1;
	[dreg:$0x2] =	wrdreg s2  }
0xa9: {  	[dreg:$0x3] =	wrdreg s4  }
0xaa: {  	[dreg:$0x4] =	wrdreg $0xC0  }
0xab: {  	_ =	task [dreg:s6], $0x5FFFF  }
0xac: {  	[dreg:$0x1] =	wrdreg $0xFFFFFFFF  }
0xad: {  	[dreg:$0x0] =	wrdreg $0x60  }
0xae: {  	[dreg:$0x2] =	wrdreg s24  }
0xaf: {  	[dreg:$0x3] =	wrdreg $0x38000  }
0xb0: {  	[dreg:$0x4] =	wrdreg $0x9  }
0xb1: {  	_ =	task.clear_ibuf [dreg:s6], $0x5FFFF;
	_ =	strace $0x90000046  }
0xb2: {  	s29 =	simm.s32 $0x9;
	_ =	strace $0x80000048  }
0xb3: {  	_ =	swait.ge [sflag:s29], $0x1  }
0xb4: {  	[sflag:s29] =	ssyncadd.s32 $0xFFFFFFFF  }
0xb5: {  	_ =	strace $0x90000048  }
0xb6: {  	_ =	sfence  }
0xb7: {  	s30 =	sld [smem:$0x0];
	_ =	sdelay $0x2  }
0xb8: {  	s31 =	sshll.u32 s1, $0xD;
	s1 =	sshrl.u32 s1, $0x2  }
0xb9: {  	s3 =	sand.u32 $0x4000, s31;
	s1 =	sadd.s32 s1, s30  }
0xba: {  	s0 =	sor.u32 s3, s0;
	s1 =	sshll.u32 s1, $0x11  }
0xbb: {  	s0 =	sor.u32 s1, s0  }
0xbc: {  	s0 =	sadd.s32 $0x8F2B, s0  }
0xbd: {  	[sflag:s0] =	ssyncadd.remote.s32 $0x1  }
0xbe: {  	_ =	sfence.sel $0xFFFF  }
0xbf: {  	[dreg:$0x0] =	wrdreg $0xFFFFFFFF;
	(pc) =	sbr.abs _section_cstart, $3  }
0xc0: {  	[dreg:$0x1] =	wrdreg $0xFFFFFFFF  }
0xc1: {  	_ =	task.clear_ibuf [dreg:s6], $0x2FFFF;
	_ =	strace $0x9FFFFFFF  }
0xc2: {  	(tm) =	ssettm $0x7FFFFFFF  }
0xc3: {  	_ =	shalt  }
tec
execute0_lowered:
.L_overlay_start_1:
0x0: {  	(tag) =	ssettag $0x1  }
0x1: {  	s30 =	rddreg [dreg:$0x0]  }
0x2: {  	s2 =	rddreg [dreg:$0x1]  }
0x3: {  	s1 =	stileid.u32;
	s3 =	simm.s32 $0x0;
	s25 =	srdreg.scid  }
0x4: {  	s31 =	smul.u32 $0x1400, s1;
	[smem:$0x7FF] =	sst s3;
	s0 =	sadd.s32 $0xF600, s30  }
0x5: {  	s24 =	sshll.u32 s1, $0x6;
	s8 =	sshll.u32 s1, $0x1;
	_ =	strace $0x80000047  }
0x6: {  	[dreg:$0x3] =	wrdreg s0;
	s5 =	sor.u32 $0x1C01, s24;
	s4 =	sshrl.u32 s31, $0x3  }
0x7: {  	s0 =	sand.u32 $0x1, s25;
	s6 =	sadd.s32 s31, s2;
	s23 =	sadd.s32 s4, s30  }
0x8: {  	s7 =	sshrl.u32 s6, $0x3;
	s6 =	simm.s32 $0x1;
	s4 =	sadd.s32 $0xCE00, s23  }
0x9: {  	[spmem:s7], [sflag:s5] =	dma.local [hbm:s4], $0x280  }
0xa: {  	s8 =	sor.u32 s0, s8;
	_ =	swait.ge [sflag:s6], $0x280  }
0xb: {  	s10 =	smul.u32 $0x500, s8;
	[sflag:s6] =	ssyncset.done $0x0  }
0xc: {  	s8 =	simm.s32 $0x2800;
	s9 =	rddreg [dreg:$0x3];
	[sflag:s6] =	ssyncadd.s32 $0xFFFFFD80  }
0xd: {  	[tilespmem:s8], [sflag:$0x1] =	stream.linear.gather [hbm4b:s9+s3], $0x1000, $0x38;
	[tilespmem:$0x4C00] =	vst v63  }
0xe: {  	_ =	swait.ge [sflag:s6], $0x1000  }
0xf: {  	s26 =	sadd.s32 s10, s30;
	[sflag:s6] =	ssyncset.done $0x0  }
0x10: {  	s9 =	sadd.s32 $0x2E00, s26;
	[sflag:s6] =	ssyncadd.s32 $0xFFFFF000  }
0x11: {  	[tilespmem:s3], [sflag:$0x1] =	stream.linear.gather [hbm4b:s9+s3], $0x2800, $0x38;
	[tilespmem:$0x4C00] =	vst v63  }
0x12: {  	_ =	swait.ge [sflag:s6], $0x2800  }
0x13: {  	[sflag:s6] =	ssyncset.done $0x0  }
0x14: {  	[sflag:s6] =	ssyncadd.s32 $0xFFFFD800  }
0x15: {  	s10 =	simm.s32 $0x200;
	[bflag:$0x0] =	sbarrier.arrive $0xFFFF  }
0x16: {  	[spmem:s2] =	stream.indirect.scatter.add.f32 [tilespmem:s8], [sflag:$0x1], $0x8, s3, s10, $0xb8;
	[tilespmem:$0x4C00] =	vst v63  }
0x17: {  	_ =	swait.ge [sflag:s6], $0x1000  }
0x18: {  	[sflag:s6] =	ssyncset.done $0x0  }
0x19: {  	[sflag:s6] =	ssyncadd.s32 $0xFFFFF000  }
0x1a: {  	[spmem:s2] =	stream.indirect.scatter.add.f32 [tilespmem:s8], [sflag:$0x1], $0x8, s10, s10, $0xb8;
	[tilespmem:$0x4C00] =	vst v63  }
0x1b: {  	_ =	swait.ge [sflag:s6], $0x1000  }
0x1c: {  	[sflag:s6] =	ssyncset.done $0x0  }
0x1d: {  	s11 =	simm.s32 $0x400;
	[sflag:s6] =	ssyncadd.s32 $0xFFFFF000  }
0x1e: {  	[spmem:s2] =	stream.indirect.scatter.add.f32 [tilespmem:s8], [sflag:$0x1], $0x8, s11, s10, $0xb8;
	[tilespmem:$0x4C00] =	vst v63  }
0x1f: {  	_ =	swait.ge [sflag:s6], $0x1000  }
0x20: {  	[sflag:s6] =	ssyncset.done $0x0  }
0x21: {  	s12 =	simm.s32 $0x600;
	[sflag:s6] =	ssyncadd.s32 $0xFFFFF000  }
0x22: {  	[spmem:s2] =	stream.indirect.scatter.add.f32 [tilespmem:s8], [sflag:$0x1], $0x8, s12, s10, $0xb8;
	[tilespmem:$0x4C00] =	vst v63  }
0x23: {  	_ =	swait.ge [sflag:s6], $0x1000  }
0x24: {  	[sflag:s6] =	ssyncset.done $0x0  }
0x25: {  	s13 =	simm.s32 $0x800;
	[sflag:s6] =	ssyncadd.s32 $0xFFFFF000  }
0x26: {  	[spmem:s2] =	stream.indirect.scatter.add.f32 [tilespmem:s8], [sflag:$0x1], $0x8, s13, s10, $0xb8;
	[tilespmem:$0x4C00] =	vst v63  }
0x27: {  	_ =	swait.ge [sflag:s6], $0x1000  }
0x28: {  	[sflag:s6] =	ssyncset.done $0x0  }
0x29: {  	s14 =	simm.s32 $0xA00;
	[sflag:s6] =	ssyncadd.s32 $0xFFFFF000  }
0x2a: {  	[spmem:s2] =	stream.indirect.scatter.add.f32 [tilespmem:s8], [sflag:$0x1], $0x8, s14, s10, $0xb8;
	[tilespmem:$0x4C00] =	vst v63  }
0x2b: {  	_ =	swait.ge [sflag:s6], $0x1000  }
0x2c: {  	[sflag:s6] =	ssyncset.done $0x0  }
0x2d: {  	s15 =	simm.s32 $0xC00;
	[sflag:s6] =	ssyncadd.s32 $0xFFFFF000  }
0x2e: {  	[spmem:s2] =	stream.indirect.scatter.add.f32 [tilespmem:s8], [sflag:$0x1], $0x8, s15, s10, $0xb8;
	[tilespmem:$0x4C00] =	vst v63  }
0x2f: {  	_ =	swait.ge [sflag:s6], $0x1000  }
0x30: {  	[sflag:s6] =	ssyncset.done $0x0  }
0x31: {  	s16 =	simm.s32 $0xE00;
	[sflag:s6] =	ssyncadd.s32 $0xFFFFF000  }
0x32: {  	[spmem:s2] =	stream.indirect.scatter.add.f32 [tilespmem:s8], [sflag:$0x1], $0x8, s16, s10, $0xb8;
	[tilespmem:$0x4C00] =	vst v63  }
0x33: {  	_ =	swait.ge [sflag:s6], $0x1000  }
0x34: {  	[sflag:s6] =	ssyncset.done $0x0  }
0x35: {  	s17 =	simm.s32 $0x1000;
	[sflag:s6] =	ssyncadd.s32 $0xFFFFF000  }
0x36: {  	[spmem:s2] =	stream.indirect.scatter.add.f32 [tilespmem:s8], [sflag:$0x1], $0x8, s17, s10, $0xb8;
	[tilespmem:$0x4C00] =	vst v63  }
0x37: {  	_ =	swait.ge [sflag:s6], $0x1000  }
0x38: {  	[sflag:s6] =	ssyncset.done $0x0  }
0x39: {  	s18 =	simm.s32 $0x1200;
	[sflag:s6] =	ssyncadd.s32 $0xFFFFF000  }
0x3a: {  	[spmem:s2] =	stream.indirect.scatter.add.f32 [tilespmem:s8], [sflag:$0x1], $0x8, s18, s10, $0xb8;
	[tilespmem:$0x4C00] =	vst v63  }
0x3b: {  	_ =	swait.ge [sflag:s6], $0x1000  }
0x3c: {  	[sflag:s6] =	ssyncset.done $0x0  }
0x3d: {  	s19 =	simm.s32 $0x1400;
	[sflag:s6] =	ssyncadd.s32 $0xFFFFF000  }
0x3e: {  	[spmem:s2] =	stream.indirect.scatter.add.f32 [tilespmem:s8], [sflag:$0x1], $0x8, s19, s10, $0xb8;
	[tilespmem:$0x4C00] =	vst v63  }
0x3f: {  	_ =	swait.ge [sflag:s6], $0x1000  }
0x40: {  	[sflag:s6] =	ssyncset.done $0x0  }
0x41: {  	s20 =	simm.s32 $0x1600;
	[sflag:s6] =	ssyncadd.s32 $0xFFFFF000  }
0x42: {  	[spmem:s2] =	stream.indirect.scatter.add.f32 [tilespmem:s8], [sflag:$0x1], $0x8, s20, s10, $0xb8;
	[tilespmem:$0x4C00] =	vst v63  }
0x43: {  	_ =	swait.ge [sflag:s6], $0x1000  }
0x44: {  	[sflag:s6] =	ssyncset.done $0x0  }
0x45: {  	s21 =	simm.s32 $0x1800;
	[sflag:s6] =	ssyncadd.s32 $0xFFFFF000  }
0x46: {  	[spmem:s2] =	stream.indirect.scatter.add.f32 [tilespmem:s8], [sflag:$0x1], $0x8, s21, s10, $0xb8;
	[tilespmem:$0x4C00] =	vst v63  }
0x47: {  	_ =	swait.ge [sflag:s6], $0x1000  }
0x48: {  	[sflag:s6] =	ssyncset.done $0x0  }
0x49: {  	s22 =	simm.s32 $0x1A00;
	[sflag:s6] =	ssyncadd.s32 $0xFFFFF000  }
0x4a: {  	[spmem:s2] =	stream.indirect.scatter.add.f32 [tilespmem:s8], [sflag:$0x1], $0x8, s22, s10, $0xb8;
	[tilespmem:$0x4C00] =	vst v63  }
0x4b: {  	_ =	swait.ge [sflag:s6], $0x1000  }
0x4c: {  	[sflag:s6] =	ssyncset.done $0x0  }
0x4d: {  	s23 =	simm.s32 $0x1C00;
	[sflag:s6] =	ssyncadd.s32 $0xFFFFF000  }
0x4e: {  	[spmem:s2] =	stream.indirect.scatter.add.f32 [tilespmem:s8], [sflag:$0x1], $0x8, s23, s10, $0xb8;
	[tilespmem:$0x4C00] =	vst v63  }
0x4f: {  	_ =	swait.ge [sflag:s6], $0x1000  }
0x50: {  	[sflag:s6] =	ssyncset.done $0x0  }
0x51: {  	s24 =	simm.s32 $0x1E00;
	[sflag:s6] =	ssyncadd.s32 $0xFFFFF000  }
0x52: {  	[spmem:s2] =	stream.indirect.scatter.add.f32 [tilespmem:s8], [sflag:$0x1], $0x8, s24, s10, $0xb8;
	[tilespmem:$0x4C00] =	vst v63  }
0x53: {  	_ =	swait.ge [sflag:s6], $0x1000  }
0x54: {  	[sflag:s6] =	ssyncset.done $0x0  }
0x55: {  	s25 =	simm.s32 $0x2000;
	[sflag:s6] =	ssyncadd.s32 $0xFFFFF000  }
0x56: {  	[spmem:s2] =	stream.indirect.scatter.add.f32 [tilespmem:s8], [sflag:$0x1], $0x8, s25, s10, $0xb8;
	[tilespmem:$0x4C00] =	vst v63  }
0x57: {  	_ =	swait.ge [sflag:s6], $0x1000  }
0x58: {  	[sflag:s6] =	ssyncset.done $0x0  }
0x59: {  	s26 =	simm.s32 $0x2200;
	[sflag:s6] =	ssyncadd.s32 $0xFFFFF000  }
0x5a: {  	[spmem:s2] =	stream.indirect.scatter.add.f32 [tilespmem:s8], [sflag:$0x1], $0x8, s26, s10, $0xb8;
	[tilespmem:$0x4C00] =	vst v63  }
0x5b: {  	_ =	swait.ge [sflag:s6], $0x1000  }
0x5c: {  	[sflag:s6] =	ssyncset.done $0x0  }
0x5d: {  	s28 =	simm.s32 $0x2400;
	s1 =	smul.u32 $0x14000, s0;
	[sflag:s6] =	ssyncadd.s32 $0xFFFFF000  }
0x5e: {  	[spmem:s2] =	stream.indirect.scatter.add.f32 [tilespmem:s8], [sflag:$0x1], $0x8, s28, s10, $0xb8;
	[tilespmem:$0x4C00] =	vst v63  }
0x5f: {  	s0 =	ssub.s32 $0x2, s0;
	_ =	swait.ge [sflag:s6], $0x1000  }
0x60: {  	s1 =	sadd.s32 s31, s1;
	s31 =	sshrl.u32 s0, $0x1;
	[sflag:s6] =	ssyncset.done $0x0  }
0x61: {  	s29 =	simm.s32 $0x2600;
	s0 =	ssub.s32 s0, s31;
	[sflag:s6] =	ssyncadd.s32 $0xFFFFF000  }
0x62: {  	[spmem:s2] =	stream.indirect.scatter.add.f32 [tilespmem:s8], [sflag:$0x1], $0x8, s29, s10, $0xb8;
	[tilespmem:$0x4C00] =	vst v63  }
0x63: {  	s0 =	smax.u32 s0, $0x1;
	_ =	swait.ge [sflag:s6], $0x1000  }
0x64: {  	s1 =	sshrl.u32 s1, $0x3;
	p0 =	sne.s32 s0, $0x1;
	[sflag:s6] =	ssyncset.done $0x0  }
.Ltmp0:
0x65: {  	s1 =	sadd.s32 s1, s30;
	[sflag:s6] =	ssyncadd.s32 $0xFFFFF000;
	(pc) =	sbr.rel @!p0 .LBB2_2-.Ltmp0, $4  }
0x66: {  	s30 =	sadd.s32 $0xF800, s1;
	[bflag:$0x0] =	sbarrier.arrive $0xFFFF  }
0x67: {  	[hbm:s30], [sflag:s5] =	dma.local [spmem:s7], $0x280  }
0x68: {  	_ =	swait.ge [sflag:s6], $0x280  }
0x69: {  	s31 =	sadd.s32 $0xFFFFFFFF, s0;
	[sflag:s6] =	ssyncset.done $0x0  }
.LBB2_1:
0x6a: {  	[sflag:s6] =	ssyncadd.s32 $0xFFFFFD80  }
0x6b: {  	[spmem:s7], [sflag:s5] =	dma.local [hbm:s4], $0x280  }
0x6c: {  	_ =	swait.ge [sflag:s6], $0x280  }
0x6d: {  	[sflag:s6] =	ssyncset.done $0x0  }
0x6e: {  	s0 =	rddreg [dreg:$0x3];
	[sflag:s6] =	ssyncadd.s32 $0xFFFFFD80  }
0x6f: {  	[tilespmem:s8], [sflag:$0x1] =	stream.linear.gather [hbm4b:s0+s3], $0x1000, $0x38;
	[tilespmem:$0x4C00] =	vst v63  }
0x70: {  	_ =	swait.ge [sflag:s6], $0x1000  }
0x71: {  	[sflag:s6] =	ssyncset.done $0x0  }
0x72: {  	[sflag:s6] =	ssyncadd.s32 $0xFFFFF000  }
0x73: {  	[tilespmem:s3], [sflag:$0x1] =	stream.linear.gather [hbm4b:s9+s3], $0x2800, $0x38;
	[tilespmem:$0x4C00] =	vst v63  }
0x74: {  	_ =	swait.ge [sflag:s6], $0x2800  }
0x75: {  	[sflag:s6] =	ssyncset.done $0x0  }
0x76: {  	[sflag:s6] =	ssyncadd.s32 $0xFFFFD800  }
0x77: {  	[bflag:$0x0] =	sbarrier.arrive $0xFFFF  }
0x78: {  	[spmem:s2] =	stream.indirect.scatter.add.f32 [tilespmem:s8], [sflag:$0x1], $0x8, s3, s10, $0xb8;
	[tilespmem:$0x4C00] =	vst v63  }
0x79: {  	_ =	swait.ge [sflag:s6], $0x1000  }
0x7a: {  	[sflag:s6] =	ssyncset.done $0x0  }
0x7b: {  	[sflag:s6] =	ssyncadd.s32 $0xFFFFF000  }
0x7c: {  	[spmem:s2] =	stream.indirect.scatter.add.f32 [tilespmem:s8], [sflag:$0x1], $0x8, s10, s10, $0xb8;
	[tilespmem:$0x4C00] =	vst v63  }
0x7d: {  	_ =	swait.ge [sflag:s6], $0x1000  }
0x7e: {  	[sflag:s6] =	ssyncset.done $0x0  }
0x7f: {  	[sflag:s6] =	ssyncadd.s32 $0xFFFFF000  }
0x80: {  	[spmem:s2] =	stream.indirect.scatter.add.f32 [tilespmem:s8], [sflag:$0x1], $0x8, s11, s10, $0xb8;
	[tilespmem:$0x4C00] =	vst v63  }
0x81: {  	_ =	swait.ge [sflag:s6], $0x1000  }
0x82: {  	[sflag:s6] =	ssyncset.done $0x0  }
0x83: {  	[sflag:s6] =	ssyncadd.s32 $0xFFFFF000  }
0x84: {  	[spmem:s2] =	stream.indirect.scatter.add.f32 [tilespmem:s8], [sflag:$0x1], $0x8, s12, s10, $0xb8;
	[tilespmem:$0x4C00] =	vst v63  }
0x85: {  	_ =	swait.ge [sflag:s6], $0x1000  }
0x86: {  	[sflag:s6] =	ssyncset.done $0x0  }
0x87: {  	[sflag:s6] =	ssyncadd.s32 $0xFFFFF000  }
0x88: {  	[spmem:s2] =	stream.indirect.scatter.add.f32 [tilespmem:s8], [sflag:$0x1], $0x8, s13, s10, $0xb8;
	[tilespmem:$0x4C00] =	vst v63  }
0x89: {  	_ =	swait.ge [sflag:s6], $0x1000  }
0x8a: {  	[sflag:s6] =	ssyncset.done $0x0  }
0x8b: {  	[sflag:s6] =	ssyncadd.s32 $0xFFFFF000  }
0x8c: {  	[spmem:s2] =	stream.indirect.scatter.add.f32 [tilespmem:s8], [sflag:$0x1], $0x8, s14, s10, $0xb8;
	[tilespmem:$0x4C00] =	vst v63  }
0x8d: {  	_ =	swait.ge [sflag:s6], $0x1000  }
0x8e: {  	[sflag:s6] =	ssyncset.done $0x0  }
0x8f: {  	[sflag:s6] =	ssyncadd.s32 $0xFFFFF000  }
0x90: {  	[spmem:s2] =	stream.indirect.scatter.add.f32 [tilespmem:s8], [sflag:$0x1], $0x8, s15, s10, $0xb8;
	[tilespmem:$0x4C00] =	vst v63  }
0x91: {  	_ =	swait.ge [sflag:s6], $0x1000  }
0x92: {  	[sflag:s6] =	ssyncset.done $0x0  }
0x93: {  	[sflag:s6] =	ssyncadd.s32 $0xFFFFF000  }
0x94: {  	[spmem:s2] =	stream.indirect.scatter.add.f32 [tilespmem:s8], [sflag:$0x1], $0x8, s16, s10, $0xb8;
	[tilespmem:$0x4C00] =	vst v63  }
0x95: {  	_ =	swait.ge [sflag:s6], $0x1000  }
0x96: {  	[sflag:s6] =	ssyncset.done $0x0  }
0x97: {  	[sflag:s6] =	ssyncadd.s32 $0xFFFFF000  }
0x98: {  	[spmem:s2] =	stream.indirect.scatter.add.f32 [tilespmem:s8], [sflag:$0x1], $0x8, s17, s10, $0xb8;
	[tilespmem:$0x4C00] =	vst v63  }
0x99: {  	_ =	swait.ge [sflag:s6], $0x1000  }
0x9a: {  	[sflag:s6] =	ssyncset.done $0x0  }
0x9b: {  	[sflag:s6] =	ssyncadd.s32 $0xFFFFF000  }
0x9c: {  	[spmem:s2] =	stream.indirect.scatter.add.f32 [tilespmem:s8], [sflag:$0x1], $0x8, s18, s10, $0xb8;
	[tilespmem:$0x4C00] =	vst v63  }
0x9d: {  	_ =	swait.ge [sflag:s6], $0x1000  }
0x9e: {  	[sflag:s6] =	ssyncset.done $0x0  }
0x9f: {  	[sflag:s6] =	ssyncadd.s32 $0xFFFFF000  }
0xa0: {  	[spmem:s2] =	stream.indirect.scatter.add.f32 [tilespmem:s8], [sflag:$0x1], $0x8, s19, s10, $0xb8;
	[tilespmem:$0x4C00] =	vst v63  }
0xa1: {  	_ =	swait.ge [sflag:s6], $0x1000  }
0xa2: {  	[sflag:s6] =	ssyncset.done $0x0  }
0xa3: {  	[sflag:s6] =	ssyncadd.s32 $0xFFFFF000  }
0xa4: {  	[spmem:s2] =	stream.indirect.scatter.add.f32 [tilespmem:s8], [sflag:$0x1], $0x8, s20, s10, $0xb8;
	[tilespmem:$0x4C00] =	vst v63  }
0xa5: {  	_ =	swait.ge [sflag:s6], $0x1000  }
0xa6: {  	[sflag:s6] =	ssyncset.done $0x0  }
0xa7: {  	[sflag:s6] =	ssyncadd.s32 $0xFFFFF000  }
0xa8: {  	[spmem:s2] =	stream.indirect.scatter.add.f32 [tilespmem:s8], [sflag:$0x1], $0x8, s21, s10, $0xb8;
	[tilespmem:$0x4C00] =	vst v63  }
0xa9: {  	_ =	swait.ge [sflag:s6], $0x1000  }
0xaa: {  	[sflag:s6] =	ssyncset.done $0x0  }
0xab: {  	[sflag:s6] =	ssyncadd.s32 $0xFFFFF000  }
0xac: {  	[spmem:s2] =	stream.indirect.scatter.add.f32 [tilespmem:s8], [sflag:$0x1], $0x8, s22, s10, $0xb8;
	[tilespmem:$0x4C00] =	vst v63  }
0xad: {  	_ =	swait.ge [sflag:s6], $0x1000  }
0xae: {  	[sflag:s6] =	ssyncset.done $0x0  }
0xaf: {  	[sflag:s6] =	ssyncadd.s32 $0xFFFFF000  }
0xb0: {  	[spmem:s2] =	stream.indirect.scatter.add.f32 [tilespmem:s8], [sflag:$0x1], $0x8, s23, s10, $0xb8;
	[tilespmem:$0x4C00] =	vst v63  }
0xb1: {  	_ =	swait.ge [sflag:s6], $0x1000  }
0xb2: {  	[sflag:s6] =	ssyncset.done $0x0  }
0xb3: {  	[sflag:s6] =	ssyncadd.s32 $0xFFFFF000  }
0xb4: {  	[spmem:s2] =	stream.indirect.scatter.add.f32 [tilespmem:s8], [sflag:$0x1], $0x8, s24, s10, $0xb8;
	[tilespmem:$0x4C00] =	vst v63  }
0xb5: {  	_ =	swait.ge [sflag:s6], $0x1000  }
0xb6: {  	[sflag:s6] =	ssyncset.done $0x0  }
0xb7: {  	[sflag:s6] =	ssyncadd.s32 $0xFFFFF000  }
0xb8: {  	[spmem:s2] =	stream.indirect.scatter.add.f32 [tilespmem:s8], [sflag:$0x1], $0x8, s25, s10, $0xb8;
	[tilespmem:$0x4C00] =	vst v63  }
0xb9: {  	_ =	swait.ge [sflag:s6], $0x1000  }
0xba: {  	[sflag:s6] =	ssyncset.done $0x0  }
0xbb: {  	[sflag:s6] =	ssyncadd.s32 $0xFFFFF000  }
0xbc: {  	[spmem:s2] =	stream.indirect.scatter.add.f32 [tilespmem:s8], [sflag:$0x1], $0x8, s26, s10, $0xb8;
	[tilespmem:$0x4C00] =	vst v63  }
0xbd: {  	_ =	swait.ge [sflag:s6], $0x1000  }
0xbe: {  	[sflag:s6] =	ssyncset.done $0x0  }
0xbf: {  	[sflag:s6] =	ssyncadd.s32 $0xFFFFF000  }
0xc0: {  	[spmem:s2] =	stream.indirect.scatter.add.f32 [tilespmem:s8], [sflag:$0x1], $0x8, s28, s10, $0xb8;
	[tilespmem:$0x4C00] =	vst v63  }
0xc1: {  	_ =	swait.ge [sflag:s6], $0x1000  }
0xc2: {  	[sflag:s6] =	ssyncset.done $0x0  }
0xc3: {  	[sflag:s6] =	ssyncadd.s32 $0xFFFFF000  }
0xc4: {  	[spmem:s2] =	stream.indirect.scatter.add.f32 [tilespmem:s8], [sflag:$0x1], $0x8, s29, s10, $0xb8;
	[tilespmem:$0x4C00] =	vst v63  }
0xc5: {  	_ =	swait.ge [sflag:s6], $0x1000  }
0xc6: {  	p0 =	sne.s32 s31, $0x1;
	[sflag:s6] =	ssyncset.done $0x0  }
.Ltmp1:
0xc7: {  	[sflag:s6] =	ssyncadd.s32 $0xFFFFF000;
	(pc) =	sbr.rel @p0 .LBB2_1-.Ltmp1, $4  }
0xc8: {  	[bflag:$0x0] =	sbarrier.arrive $0xFFFF  }
0xc9: {  	[hbm:s30], [sflag:s5] =	dma.local [spmem:s7], $0x280  }
0xca: {  	_ =	swait.ge [sflag:s6], $0x280  }
0xcb: {  	s31 =	sadd.s32 $0xFFFFFFFF, s31;
	[sflag:s6] =	ssyncset.done $0x0  }
.LBB2_2:
0xcc: {  	[sflag:s6] =	ssyncadd.s32 $0xFFFFFD80  }
0xcd: {  	_ =	sfence.sel $0x180000  }
0xce: {  	[bflag:$0x0] =	sbarrier.arrive $0xFFFF  }
0xcf: {  	_ =	strace $0x90000047  }
0xd0: {  	s0 =	stileid.u32;
	[bflag:$0x2] =	sbarrier.arrive $0xFFFF  }
0xd1: {  	p0 =	sne.s32 s0, $0x0;
	s0 =	rddreg [dreg:$0x2]  }
0xd2: {  	s0 =	sadd.s32 @!p0 $0x100000, s0  }
0xd3: {  	[sflag:s0] =	ssyncadd.tile.s32 @!p0 $0x1;
	_ =	shalt  }
.Lfunc_end2:
_tile_overlayer_lowered:
.L_overlay_start_2:
0xd4: {  	(tag) =	ssettag $0x2  }
0xd5: {  	s0 =	rddreg [dreg:$0x0];
	s2 =	stileid.u32  }
0xd6: {  	s1 =	rddreg [dreg:$0x1];
	p0 =	sne.s32 s2, $0x0  }
0xd7: {  	s3 =	rddreg [dreg:$0x2];
	[bflag:$0x3] =	sbarrier.arrive $0xFFFF;
	s2 =	simm.s32 @!p0 $0x1C01  }
0xd8: {  	[timem:s3], [sflag:s2] =	dma.local @!p0 [hbm:s0], s1  }
0xd9: {  	s0 =	simm.s32 @!p0 $0x1  }
0xda: {  	_ =	swait.ge @!p0 [sflag:s0], s1  }
0xdb: {  	s1 =	ssub.s32 @!p0 $0x0, s1;
	[sflag:s0] =	ssyncset.done @!p0 $0x0  }
0xdc: {  	[sflag:s0] =	ssyncadd.s32 @!p0 s1  }
0xdd: {  	[bflag:$0x3] =	sbarrier.arrive $0xFFFF  }
0xde: {  	_ =	shalt  }

</sc_bundles>
